<compile_context>
chip_gen: v7x
topology: tpu7x:2x2x1
jax: 0.10.2.dev20260603
libtpu: 0.0.44.dev20260713+nightly
codegen_flags: <defaults>
</compile_context>

<pallas_src>
import jax
import jax.numpy as jnp
from jax import lax
from jax.experimental import pallas as pl
from jax.experimental.pallas import tpu as pltpu
from jax.experimental.pallas import tpu_sc as plsc

_N = 100000
_D = 128
_L = 16
_NC = 2
_NS = 16
_CHUNK = 128
_STRIPE_CHUNKS = 50
_STRIPE = _STRIPE_CHUNKS * _CHUNK
_N_PAD = _NS * _STRIPE
_TAIL = _N % _CHUNK
_A = 25
_B = _STRIPE_CHUNKS - _A


_TROWS = 512 // _NS


def _sc_body(in_deg, out_deg, in_tab, out_tab, out,
             idx_a, idx_b, sh_a, sh_b,
             ra0, ra1, ra2, rb0, rb1, rb2,
             sga0, sga1, sga2, sgb0, sgb1, sgb2, sw0, sw1, sw2, sst):
    cid = lax.axis_index("c")
    sid = lax.axis_index("s")
    ras = (ra0, ra1, ra2)
    rbs = (rb0, rb1, rb2)
    sgas = (sga0, sga1, sga2)
    sgbs = (sgb0, sgb1, sgb2)
    sws = (sw0, sw1, sw2)

    base = sid * _STRIPE + cid * (_A * _CHUNK)
    nrows = _A * _CHUNK
    tsl = pl.ds(sid * _TROWS, _TROWS)
    isl = pl.ds(base, nrows)
    osl = pl.ds(0, nrows)
    pltpu.async_copy(in_tab.at[tsl], sh_a.at[tsl], sst)
    pltpu.async_copy(out_tab.at[tsl], sh_b.at[tsl], sst)
    pltpu.async_copy(in_deg.at[isl], idx_a.at[osl], sst)
    pltpu.async_copy(out_deg.at[isl], idx_b.at[osl], sst)
    pltpu.make_async_copy(in_tab.at[tsl], sh_a.at[tsl], sst).wait()
    pltpu.make_async_copy(out_tab.at[tsl], sh_b.at[tsl], sst).wait()
    pltpu.make_async_copy(in_deg.at[isl], idx_a.at[osl], sst).wait()
    pltpu.make_async_copy(out_deg.at[isl], idx_b.at[osl], sst).wait()
    plsc.subcore_barrier()

    def issue_gather(c, s):
        sl = pl.ds(c * _CHUNK, _CHUNK)
        pltpu.async_copy(sh_a.at[idx_a.at[sl]], ras[s], sgas[s])
        pltpu.async_copy(sh_b.at[idx_b.at[sl]], rbs[s], sgbs[s])

    def wait_gather(s):
        sl = pl.ds(0, _CHUNK)
        pltpu.make_async_copy(sh_a.at[idx_a.at[sl]], ras[s], sgas[s]).wait()
        pltpu.make_async_copy(sh_b.at[idx_b.at[sl]], rbs[s], sgbs[s]).wait()

    def issue_write(base, c, s):
        gbase = base + c * _CHUNK

        @pl.when(gbase + _CHUNK <= _N)
        def _():
            pltpu.async_copy(ras[s], out.at[pl.ds(gbase, _CHUNK)], sws[s])

        @pl.when(jnp.logical_and(gbase < _N, gbase + _CHUNK > _N))
        def _():
            pltpu.async_copy(ras[s].at[pl.ds(0, _TAIL)],
                             out.at[pl.ds(gbase, _TAIL)], sws[s])

    def wait_write(base, c, s, extra_pred):
        gbase = base + c * _CHUNK
        p_full = jnp.logical_and(extra_pred, gbase + _CHUNK <= _N)
        p_part = jnp.logical_and(
            extra_pred, jnp.logical_and(gbase < _N, gbase + _CHUNK > _N))

        @pl.when(p_full)
        def _():
            pltpu.make_async_copy(ras[s], out.at[pl.ds(gbase, _CHUNK)],
                                  sws[s]).wait()

        @pl.when(p_part)
        def _():
            pltpu.make_async_copy(ras[s].at[pl.ds(0, _TAIL)],
                                  out.at[pl.ds(gbase, _TAIL)], sws[s]).wait()

    def accumulate(s):
        ra, rb = ras[s], rbs[s]

        @plsc.parallel_loop(0, _CHUNK, unroll=4)
        def _(r):
            for j in range(_D // _L):
                sl = pl.ds(j * _L, _L)
                plsc.addupdate(ra.at[r, sl], rb[r, sl])

    true_pred = jnp.bool_(True)

    def pipeline(nc, base):
        n_triples = (nc - 1) // 3
        issue_gather(0, 0)

        def body(j, carry):
            for s in range(3):
                c = 3 * j + s
                sn = (s + 1) % 3
                wait_write(base, c - 2, sn, c >= 2)
                issue_gather(c + 1, sn)
                wait_gather(s)
                accumulate(s)
                issue_write(base, c, s)
            return carry

        lax.fori_loop(0, n_triples, body, 0)

        for c in range(3 * n_triples, nc):
            s = c % 3
            sn = (s + 1) % 3
            if c + 1 < nc:
                wait_write(base, c - 2, sn, true_pred)
                issue_gather(c + 1, sn)
            wait_gather(s)
            accumulate(s)
            issue_write(base, c, s)

        for c in range(max(0, nc - 3), nc):
            wait_write(base, c, c % 3, true_pred)

    pipeline(_A, base)


def kernel(in_degrees, out_degrees, in_table, out_table):
    pad = _N_PAD - _N
    zeros = jnp.zeros((pad,), jnp.int32)
    in_idx = jnp.concatenate([in_degrees.astype(jnp.int32), zeros])
    out_idx = jnp.concatenate([out_degrees.astype(jnp.int32), zeros])

    mesh = plsc.VectorSubcoreMesh(core_axis_name="c", subcore_axis_name="s")
    max_rows = max(_A, _B) * _CHUNK
    return pl.kernel(
        _sc_body,
        out_type=jax.ShapeDtypeStruct((_N, _D), jnp.float32),
        mesh=mesh,
        scratch_types=[
            pltpu.VMEM((max_rows,), jnp.int32),
            pltpu.VMEM((max_rows,), jnp.int32),
            pltpu.VMEM_SHARED((512, _D), jnp.float32),
            pltpu.VMEM_SHARED((512, _D), jnp.float32),
            pltpu.VMEM((_CHUNK, _D), jnp.float32),
            pltpu.VMEM((_CHUNK, _D), jnp.float32),
            pltpu.VMEM((_CHUNK, _D), jnp.float32),
            pltpu.VMEM((_CHUNK, _D), jnp.float32),
            pltpu.VMEM((_CHUNK, _D), jnp.float32),
            pltpu.VMEM((_CHUNK, _D), jnp.float32),
            pltpu.SemaphoreType.DMA,
            pltpu.SemaphoreType.DMA,
            pltpu.SemaphoreType.DMA,
            pltpu.SemaphoreType.DMA,
            pltpu.SemaphoreType.DMA,
            pltpu.SemaphoreType.DMA,
            pltpu.SemaphoreType.DMA,
            pltpu.SemaphoreType.DMA,
            pltpu.SemaphoreType.DMA,
            pltpu.SemaphoreType.DMA,
        ],
    )(in_idx, out_idx, in_table, out_table)

# --- scband reference (transcript-rebuilt; emitter-appended) ---
"""Pipeline reference for scband-node-encoder-86096914415886 (READ-ONLY COPY).

The authoritative reference and input builder live on the scoring server;
editing this copy changes nothing except your own understanding.
"""

import jax, jax.numpy as jnp
import numpy as np

N = 100000
EMBED_DIM = 128
NUM_IN_DEGREE = 512
NUM_OUT_DEGREE = 512


def setup_inputs(seed: int = 0) -> dict:
    key = jax.random.key(seed)
    k1, k2, k3, k4 = jax.random.split(key, 4)
    in_degrees = jax.random.randint(k1, (N,), 0, NUM_IN_DEGREE, dtype=jnp.int64 if jax.config.jax_enable_x64 else jnp.int32)
    out_degrees = jax.random.randint(k2, (N,), 0, NUM_OUT_DEGREE, dtype=jnp.int64 if jax.config.jax_enable_x64 else jnp.int32)
    in_table = jax.random.normal(k3, (NUM_IN_DEGREE, EMBED_DIM), dtype=jnp.float32)
    out_table = jax.random.normal(k4, (NUM_OUT_DEGREE, EMBED_DIM), dtype=jnp.float32)
    return {"in_degrees": in_degrees, "out_degrees": out_degrees, "in_table": in_table, "out_table": out_table}


def reference(in_degrees, out_degrees, in_table, out_table):
    # Faithful translation: two embedding lookups, elementwise sum.
    in_degree_encoding = jnp.take(in_table, in_degrees, axis=0)
    out_degree_encoding = jnp.take(out_table, out_degrees, axis=0)
    degree_encoding = in_degree_encoding + out_degree_encoding
    return degree_encoding

if __name__ == "__main__":
    import jax
    _d = setup_inputs()
    print(jax.jit(kernel)(*tuple(_d.values())))

</pallas_src>

<mosaic_0001>
#map = affine_map<(d0, d1) -> (0)>
#map1 = affine_map<(d0, d1) -> (0, 0)>
module attributes {stable_mosaic.version = 14 : i64} {
  func.func @_sc_body(%arg0: i32, %arg1: i32, %arg2: memref<102400xi32, #tpu.memory_space<hbm>>, %arg3: memref<102400xi32, #tpu.memory_space<hbm>>, %arg4: memref<512x128xf32, #tpu.memory_space<hbm>>, %arg5: memref<512x128xf32, #tpu.memory_space<hbm>>, %arg6: memref<100000x128xf32, #tpu.memory_space<hbm>>, %arg7: memref<3200xi32, #tpu.memory_space<vmem>>, %arg8: memref<3200xi32, #tpu.memory_space<vmem>>, %arg9: memref<512x128xf32, #tpu.memory_space<vmem_shared>>, %arg10: memref<512x128xf32, #tpu.memory_space<vmem_shared>>, %arg11: memref<128x128xf32, #tpu.memory_space<vmem>>, %arg12: memref<128x128xf32, #tpu.memory_space<vmem>>, %arg13: memref<128x128xf32, #tpu.memory_space<vmem>>, %arg14: memref<128x128xf32, #tpu.memory_space<vmem>>, %arg15: memref<128x128xf32, #tpu.memory_space<vmem>>, %arg16: memref<128x128xf32, #tpu.memory_space<vmem>>, %arg17: memref<!tpu.dma_semaphore, #tpu.memory_space<semaphore_mem>>, %arg18: memref<!tpu.dma_semaphore, #tpu.memory_space<semaphore_mem>>, %arg19: memref<!tpu.dma_semaphore, #tpu.memory_space<semaphore_mem>>, %arg20: memref<!tpu.dma_semaphore, #tpu.memory_space<semaphore_mem>>, %arg21: memref<!tpu.dma_semaphore, #tpu.memory_space<semaphore_mem>>, %arg22: memref<!tpu.dma_semaphore, #tpu.memory_space<semaphore_mem>>, %arg23: memref<!tpu.dma_semaphore, #tpu.memory_space<semaphore_mem>>, %arg24: memref<!tpu.dma_semaphore, #tpu.memory_space<semaphore_mem>>, %arg25: memref<!tpu.dma_semaphore, #tpu.memory_space<semaphore_mem>>, %arg26: memref<!tpu.dma_semaphore, #tpu.memory_space<semaphore_mem>>) attributes {dimension_semantics = [#tpu.dimension_semantics<core_parallel>, #tpu.dimension_semantics<subcore_parallel>], iteration_bounds = array<i64: 2, 16>, scalar_prefetch = 0 : i64, scratch_operands = 20 : i64, tpu.core_type = #tpu.core_type<sc_vector_subcore>, window_params = [{transform_indices = #map}, {transform_indices = #map}, {transform_indices = #map1}, {transform_indices = #map1}, {transform_indices = #map1}]} {
    %mul3A = arith.constant 6400 : i32
    %mul3A_0 = arith.muli %arg1, %mul3A : i32
    %mul3A_1 = arith.constant 3200 : i32
    %mul3A_2 = arith.muli %arg0, %mul3A_1 : i32
    %add3A = arith.addi %mul3A_0, %mul3A_2 : i32
    %mul3A_3 = arith.constant 32 : i32
    %mul3A_4 = arith.muli %arg1, %mul3A_3 : i32
    %dma_start3A = arith.constant 0 : i32
    %dma_start3A_5 = tpu.memref_slice %arg9[%mul3A_4, %dma_start3A] : memref<512x128xf32, #tpu.memory_space<vmem_shared>> -> memref<32x128xf32, #tpu.memory_space<vmem_shared>>
    %dma_start3A_6 = arith.constant 0 : i32
    %dma_start3A_7 = tpu.memref_slice %arg4[%mul3A_4, %dma_start3A_6] : memref<512x128xf32, #tpu.memory_space<hbm>> -> memref<32x128xf32, #tpu.memory_space<hbm>>
    tpu.enqueue_dma source(%dma_start3A_7 : memref<32x128xf32, #tpu.memory_space<hbm>>) target(%dma_start3A_5 : memref<32x128xf32, #tpu.memory_space<vmem_shared>>) target_semaphore(%arg26 : memref<!tpu.dma_semaphore, #tpu.memory_space<semaphore_mem>>)
    %dma_start3A_8 = arith.constant 0 : i32
    %dma_start3A_9 = tpu.memref_slice %arg10[%mul3A_4, %dma_start3A_8] : memref<512x128xf32, #tpu.memory_space<vmem_shared>> -> memref<32x128xf32, #tpu.memory_space<vmem_shared>>
    %dma_start3A_10 = arith.constant 0 : i32
    %dma_start3A_11 = tpu.memref_slice %arg5[%mul3A_4, %dma_start3A_10] : memref<512x128xf32, #tpu.memory_space<hbm>> -> memref<32x128xf32, #tpu.memory_space<hbm>>
    tpu.enqueue_dma source(%dma_start3A_11 : memref<32x128xf32, #tpu.memory_space<hbm>>) target(%dma_start3A_9 : memref<32x128xf32, #tpu.memory_space<vmem_shared>>) target_semaphore(%arg26 : memref<!tpu.dma_semaphore, #tpu.memory_space<semaphore_mem>>)
    %dma_start3A_12 = arith.constant 0 : i32
    %dma_start3A_13 = tpu.memref_slice %arg7[%dma_start3A_12] : memref<3200xi32, #tpu.memory_space<vmem>> -> memref<3200xi32, #tpu.memory_space<vmem>>
    %dma_start3A_14 = tpu.memref_slice %arg2[%add3A] : memref<102400xi32, #tpu.memory_space<hbm>> -> memref<3200xi32, #tpu.memory_space<hbm>>
    %dma_start3A_15 = arith.constant 0 : i32
    %dma_start3A_16 = tpu.memref_slice %arg7[%dma_start3A_15] : memref<3200xi32, #tpu.memory_space<vmem>> -> memref<3200xi32, #tpu.memory_space<vmem>>
    %dma_start3A_17 = tpu.memref_slice %arg2[%add3A] : memref<102400xi32, #tpu.memory_space<hbm>> -> memref<3200xi32, #tpu.memory_space<hbm>>
    tpu.enqueue_dma source(%dma_start3A_17 : memref<3200xi32, #tpu.memory_space<hbm>>) target(%dma_start3A_16 : memref<3200xi32, #tpu.memory_space<vmem>>) target_semaphore(%arg26 : memref<!tpu.dma_semaphore, #tpu.memory_space<semaphore_mem>>)
    %dma_start3A_18 = arith.constant 0 : i32
    %dma_start3A_19 = tpu.memref_slice %arg8[%dma_start3A_18] : memref<3200xi32, #tpu.memory_space<vmem>> -> memref<3200xi32, #tpu.memory_space<vmem>>
    %dma_start3A_20 = tpu.memref_slice %arg3[%add3A] : memref<102400xi32, #tpu.memory_space<hbm>> -> memref<3200xi32, #tpu.memory_space<hbm>>
    %dma_start3A_21 = arith.constant 0 : i32
    %dma_start3A_22 = tpu.memref_slice %arg8[%dma_start3A_21] : memref<3200xi32, #tpu.memory_space<vmem>> -> memref<3200xi32, #tpu.memory_space<vmem>>
    %dma_start3A_23 = tpu.memref_slice %arg3[%add3A] : memref<102400xi32, #tpu.memory_space<hbm>> -> memref<3200xi32, #tpu.memory_space<hbm>>
    tpu.enqueue_dma source(%dma_start3A_23 : memref<3200xi32, #tpu.memory_space<hbm>>) target(%dma_start3A_22 : memref<3200xi32, #tpu.memory_space<vmem>>) target_semaphore(%arg26 : memref<!tpu.dma_semaphore, #tpu.memory_space<semaphore_mem>>)
    %dma_wait3A = arith.constant 0 : i32
    %dma_wait3A_24 = tpu.memref_slice %arg9[%mul3A_4, %dma_wait3A] : memref<512x128xf32, #tpu.memory_space<vmem_shared>> -> memref<32x128xf32, #tpu.memory_space<vmem_shared>>
    %dma_wait3A_25 = arith.constant 0 : i32
    %dma_wait3A_26 = tpu.memref_slice %arg4[%mul3A_4, %dma_wait3A_25] : memref<512x128xf32, #tpu.memory_space<hbm>> -> memref<32x128xf32, #tpu.memory_space<hbm>>
    tpu.wait_dma2 semaphore(%arg26 : memref<!tpu.dma_semaphore, #tpu.memory_space<semaphore_mem>>) src(%dma_wait3A_26 : memref<32x128xf32, #tpu.memory_space<hbm>>) dst(%dma_wait3A_24 : memref<32x128xf32, #tpu.memory_space<vmem_shared>>)
    %dma_wait3A_27 = arith.constant 0 : i32
    %dma_wait3A_28 = tpu.memref_slice %arg10[%mul3A_4, %dma_wait3A_27] : memref<512x128xf32, #tpu.memory_space<vmem_shared>> -> memref<32x128xf32, #tpu.memory_space<vmem_shared>>
    %dma_wait3A_29 = arith.constant 0 : i32
    %dma_wait3A_30 = tpu.memref_slice %arg5[%mul3A_4, %dma_wait3A_29] : memref<512x128xf32, #tpu.memory_space<hbm>> -> memref<32x128xf32, #tpu.memory_space<hbm>>
    tpu.wait_dma2 semaphore(%arg26 : memref<!tpu.dma_semaphore, #tpu.memory_space<semaphore_mem>>) src(%dma_wait3A_30 : memref<32x128xf32, #tpu.memory_space<hbm>>) dst(%dma_wait3A_28 : memref<32x128xf32, #tpu.memory_space<vmem_shared>>)
    %dma_wait3A_31 = arith.constant 0 : i32
    %dma_wait3A_32 = tpu.memref_slice %arg7[%dma_wait3A_31] : memref<3200xi32, #tpu.memory_space<vmem>> -> memref<3200xi32, #tpu.memory_space<vmem>>
    %dma_wait3A_33 = tpu.memref_slice %arg2[%add3A] : memref<102400xi32, #tpu.memory_space<hbm>> -> memref<3200xi32, #tpu.memory_space<hbm>>
    %dma_wait3A_34 = arith.constant 0 : i32
    %dma_wait3A_35 = tpu.memref_slice %arg7[%dma_wait3A_34] : memref<3200xi32, #tpu.memory_space<vmem>> -> memref<3200xi32, #tpu.memory_space<vmem>>
    %dma_wait3A_36 = tpu.memref_slice %arg2[%add3A] : memref<102400xi32, #tpu.memory_space<hbm>> -> memref<3200xi32, #tpu.memory_space<hbm>>
    tpu.wait_dma2 semaphore(%arg26 : memref<!tpu.dma_semaphore, #tpu.memory_space<semaphore_mem>>) src(%dma_wait3A_36 : memref<3200xi32, #tpu.memory_space<hbm>>) dst(%dma_wait3A_35 : memref<3200xi32, #tpu.memory_space<vmem>>)
    %dma_wait3A_37 = arith.constant 0 : i32
    %dma_wait3A_38 = tpu.memref_slice %arg8[%dma_wait3A_37] : memref<3200xi32, #tpu.memory_space<vmem>> -> memref<3200xi32, #tpu.memory_space<vmem>>
    %dma_wait3A_39 = tpu.memref_slice %arg3[%add3A] : memref<102400xi32, #tpu.memory_space<hbm>> -> memref<3200xi32, #tpu.memory_space<hbm>>
    %dma_wait3A_40 = arith.constant 0 : i32
    %dma_wait3A_41 = tpu.memref_slice %arg8[%dma_wait3A_40] : memref<3200xi32, #tpu.memory_space<vmem>> -> memref<3200xi32, #tpu.memory_space<vmem>>
    %dma_wait3A_42 = tpu.memref_slice %arg3[%add3A] : memref<102400xi32, #tpu.memory_space<hbm>> -> memref<3200xi32, #tpu.memory_space<hbm>>
    tpu.wait_dma2 semaphore(%arg26 : memref<!tpu.dma_semaphore, #tpu.memory_space<semaphore_mem>>) src(%dma_wait3A_42 : memref<3200xi32, #tpu.memory_space<hbm>>) dst(%dma_wait3A_41 : memref<3200xi32, #tpu.memory_space<vmem>>)
    %barrier3A = arith.constant 0 : index
    tpu.barrier barrier_id(%barrier3A)
    %dma_start3A_43 = arith.constant 0 : i32
    %dma_start3A_44 = tpu.memref_slice %arg7[%dma_start3A_43] : memref<3200xi32, #tpu.memory_space<vmem>> -> memref<128xi32, #tpu.memory_space<vmem>>
    %dma_start3A_45 = arith.constant 0 : i32
    %dma_start3A_46 = arith.constant 0 : i32
    %dma_start3A_47 = tpu.memref_slice %arg9[%dma_start3A_45, %dma_start3A_46] : memref<512x128xf32, #tpu.memory_space<vmem_shared>> -> memref<512x128xf32, #tpu.memory_space<vmem_shared>>
    tpu.enqueue_indirect_dma source(%dma_start3A_47 : memref<512x128xf32, #tpu.memory_space<vmem_shared>>) target(%arg11 : memref<128x128xf32, #tpu.memory_space<vmem>>) offsets(%dma_start3A_44 : memref<128xi32, #tpu.memory_space<vmem>>) semaphore(%arg17 : memref<!tpu.dma_semaphore, #tpu.memory_space<semaphore_mem>>)
    %dma_start3A_48 = arith.constant 0 : i32
    %dma_start3A_49 = tpu.memref_slice %arg8[%dma_start3A_48] : memref<3200xi32, #tpu.memory_space<vmem>> -> memref<128xi32, #tpu.memory_space<vmem>>
    %dma_start3A_50 = arith.constant 0 : i32
    %dma_start3A_51 = arith.constant 0 : i32
    %dma_start3A_52 = tpu.memref_slice %arg10[%dma_start3A_50, %dma_start3A_51] : memref<512x128xf32, #tpu.memory_space<vmem_shared>> -> memref<512x128xf32, #tpu.memory_space<vmem_shared>>
    tpu.enqueue_indirect_dma source(%dma_start3A_52 : memref<512x128xf32, #tpu.memory_space<vmem_shared>>) target(%arg14 : memref<128x128xf32, #tpu.memory_space<vmem>>) offsets(%dma_start3A_49 : memref<128xi32, #tpu.memory_space<vmem>>) semaphore(%arg20 : memref<!tpu.dma_semaphore, #tpu.memory_space<semaphore_mem>>)
    %scan3A = arith.constant 0 : i32
    %scan3A_53 = arith.constant 0 : i32
    %scan3A_54 = arith.constant 8 : i32
    %scan3A_55 = arith.addi %scan3A_53, %scan3A_54 : i32
    %scan3A_56 = arith.constant 1 : i32
    scf.for %scan3A_152 = %scan3A_53 to %scan3A_55 step %scan3A_56  : i32 {
      %mul3A_153 = arith.constant 3 : i32
      %mul3A_154 = arith.muli %mul3A_153, %scan3A_152 : i32
      %add3A_155 = arith.constant 0 : i32
      %add3A_156 = arith.addi %mul3A_154, %add3A_155 : i32
      %sub3A = arith.constant 2 : i32
      %sub3A_157 = arith.subi %add3A_156, %sub3A : i32
      %ge3A = arith.constant 2 : i32
      %ge3A_158 = arith.cmpi sge, %add3A_156, %ge3A : i32
      %mul3A_159 = arith.constant 128 : i32
      %mul3A_160 = arith.muli %sub3A_157, %mul3A_159 : i32
      %add3A_161 = arith.addi %add3A, %mul3A_160 : i32
      %add3A_162 = arith.constant 128 : i32
      %add3A_163 = arith.addi %add3A_161, %add3A_162 : i32
      %le3A_164 = arith.constant 100000 : i32
      %le3A_165 = arith.cmpi sle, %add3A_163, %le3A_164 : i32
      %and3A_166 = arith.andi %ge3A_158, %le3A_165 : i1
      %lt3A_167 = arith.constant 100000 : i32
      %lt3A_168 = arith.cmpi slt, %add3A_161, %lt3A_167 : i32
      %add3A_169 = arith.constant 128 : i32
      %add3A_170 = arith.addi %add3A_161, %add3A_169 : i32
      %gt3A_171 = arith.constant 100000 : i32
      %gt3A_172 = arith.cmpi sgt, %add3A_170, %gt3A_171 : i32
      %and3A_173 = arith.andi %lt3A_168, %gt3A_172 : i1
      %and3A_174 = arith.andi %ge3A_158, %and3A_173 : i1
      %convert_element_type3A_175 = arith.extui %and3A_166 : i1 to i32
      %cond3A_176 = arith.constant 0 : i32
      %cond3A_177 = arith.cmpi ne, %convert_element_type3A_175, %cond3A_176 : i32
      scf.if %cond3A_177 {
        %dma_wait3A_376 = arith.constant 0 : i32
        %dma_wait3A_377 = tpu.memref_slice %arg6[%add3A_161, %dma_wait3A_376] : memref<100000x128xf32, #tpu.memory_space<hbm>> -> memref<128x128xf32, #tpu.memory_space<hbm>>
        %dma_wait3A_378 = arith.constant 0 : i32
        %dma_wait3A_379 = tpu.memref_slice %arg6[%add3A_161, %dma_wait3A_378] : memref<100000x128xf32, #tpu.memory_space<hbm>> -> memref<128x128xf32, #tpu.memory_space<hbm>>
        tpu.wait_dma2 semaphore(%arg24 : memref<!tpu.dma_semaphore, #tpu.memory_space<semaphore_mem>>) src(%arg12 : memref<128x128xf32, #tpu.memory_space<vmem>>) dst(%dma_wait3A_379 : memref<128x128xf32, #tpu.memory_space<hbm>>)
      } else {
      }
      %convert_element_type3A_178 = arith.extui %and3A_174 : i1 to i32
      %cond3A_179 = arith.constant 0 : i32
      %cond3A_180 = arith.cmpi ne, %convert_element_type3A_178, %cond3A_179 : i32
      scf.if %cond3A_180 {
        %dma_wait3A_376 = arith.constant 0 : i32
        %dma_wait3A_377 = arith.constant 0 : i32
        %dma_wait3A_378 = tpu.memref_slice %arg12[%dma_wait3A_376, %dma_wait3A_377] : memref<128x128xf32, #tpu.memory_space<vmem>> -> memref<32x128xf32, #tpu.memory_space<vmem>>
        %dma_wait3A_379 = arith.constant 0 : i32
        %dma_wait3A_380 = tpu.memref_slice %arg6[%add3A_161, %dma_wait3A_379] : memref<100000x128xf32, #tpu.memory_space<hbm>> -> memref<32x128xf32, #tpu.memory_space<hbm>>
        %dma_wait3A_381 = arith.constant 0 : i32
        %dma_wait3A_382 = tpu.memref_slice %arg6[%add3A_161, %dma_wait3A_381] : memref<100000x128xf32, #tpu.memory_space<hbm>> -> memref<32x128xf32, #tpu.memory_space<hbm>>
        %dma_wait3A_383 = arith.constant 0 : i32
        %dma_wait3A_384 = arith.constant 0 : i32
        %dma_wait3A_385 = tpu.memref_slice %arg12[%dma_wait3A_383, %dma_wait3A_384] : memref<128x128xf32, #tpu.memory_space<vmem>> -> memref<32x128xf32, #tpu.memory_space<vmem>>
        tpu.wait_dma2 semaphore(%arg24 : memref<!tpu.dma_semaphore, #tpu.memory_space<semaphore_mem>>) src(%dma_wait3A_385 : memref<32x128xf32, #tpu.memory_space<vmem>>) dst(%dma_wait3A_382 : memref<32x128xf32, #tpu.memory_space<hbm>>)
      } else {
      }
      %add3A_181 = arith.constant 1 : i32
      %add3A_182 = arith.addi %add3A_156, %add3A_181 : i32
      %mul3A_183 = arith.constant 128 : i32
      %mul3A_184 = arith.muli %add3A_182, %mul3A_183 : i32
      %dma_start3A_185 = tpu.memref_slice %arg7[%mul3A_184] : memref<3200xi32, #tpu.memory_space<vmem>> -> memref<128xi32, #tpu.memory_space<vmem>>
      %dma_start3A_186 = arith.constant 0 : i32
      %dma_start3A_187 = arith.constant 0 : i32
      %dma_start3A_188 = tpu.memref_slice %arg9[%dma_start3A_186, %dma_start3A_187] : memref<512x128xf32, #tpu.memory_space<vmem_shared>> -> memref<512x128xf32, #tpu.memory_space<vmem_shared>>
      tpu.enqueue_indirect_dma source(%dma_start3A_188 : memref<512x128xf32, #tpu.memory_space<vmem_shared>>) target(%arg12 : memref<128x128xf32, #tpu.memory_space<vmem>>) offsets(%dma_start3A_185 : memref<128xi32, #tpu.memory_space<vmem>>) semaphore(%arg18 : memref<!tpu.dma_semaphore, #tpu.memory_space<semaphore_mem>>)
      %dma_start3A_189 = tpu.memref_slice %arg8[%mul3A_184] : memref<3200xi32, #tpu.memory_space<vmem>> -> memref<128xi32, #tpu.memory_space<vmem>>
      %dma_start3A_190 = arith.constant 0 : i32
      %dma_start3A_191 = arith.constant 0 : i32
      %dma_start3A_192 = tpu.memref_slice %arg10[%dma_start3A_190, %dma_start3A_191] : memref<512x128xf32, #tpu.memory_space<vmem_shared>> -> memref<512x128xf32, #tpu.memory_space<vmem_shared>>
      tpu.enqueue_indirect_dma source(%dma_start3A_192 : memref<512x128xf32, #tpu.memory_space<vmem_shared>>) target(%arg15 : memref<128x128xf32, #tpu.memory_space<vmem>>) offsets(%dma_start3A_189 : memref<128xi32, #tpu.memory_space<vmem>>) semaphore(%arg21 : memref<!tpu.dma_semaphore, #tpu.memory_space<semaphore_mem>>)
      %dma_wait3A_193 = arith.constant 0 : i32
      %dma_wait3A_194 = tpu.memref_slice %arg7[%dma_wait3A_193] : memref<3200xi32, #tpu.memory_space<vmem>> -> memref<128xi32, #tpu.memory_space<vmem>>
      %dma_wait3A_195 = arith.constant 0 : i32
      %dma_wait3A_196 = arith.constant 0 : i32
      %dma_wait3A_197 = tpu.memref_slice %arg9[%dma_wait3A_195, %dma_wait3A_196] : memref<512x128xf32, #tpu.memory_space<vmem_shared>> -> memref<512x128xf32, #tpu.memory_space<vmem_shared>>
      tpu.wait_indirect_dma semaphore(%arg17 : memref<!tpu.dma_semaphore, #tpu.memory_space<semaphore_mem>>) src(%dma_wait3A_197 : memref<512x128xf32, #tpu.memory_space<vmem_shared>>) dst(%arg11 : memref<128x128xf32, #tpu.memory_space<vmem>>)
      %dma_wait3A_198 = arith.constant 0 : i32
      %dma_wait3A_199 = tpu.memref_slice %arg8[%dma_wait3A_198] : memref<3200xi32, #tpu.memory_space<vmem>> -> memref<128xi32, #tpu.memory_space<vmem>>
      %dma_wait3A_200 = arith.constant 0 : i32
      %dma_wait3A_201 = arith.constant 0 : i32
      %dma_wait3A_202 = tpu.memref_slice %arg10[%dma_wait3A_200, %dma_wait3A_201] : memref<512x128xf32, #tpu.memory_space<vmem_shared>> -> memref<512x128xf32, #tpu.memory_space<vmem_shared>>
      tpu.wait_indirect_dma semaphore(%arg20 : memref<!tpu.dma_semaphore, #tpu.memory_space<semaphore_mem>>) src(%dma_wait3A_202 : memref<512x128xf32, #tpu.memory_space<vmem_shared>>) dst(%arg14 : memref<128x128xf32, #tpu.memory_space<vmem>>)
      %parallel_loop3A_203 = arith.constant 0 : i32
      %parallel_loop3A_204 = arith.constant 128 : i32
      %parallel_loop3A_205 = arith.constant 1 : i32
      scf.for %parallel_loop3A_376 = %parallel_loop3A_203 to %parallel_loop3A_204 step %parallel_loop3A_205  : i32 {
        %parallel_loop3A_377 = arith.index_cast %parallel_loop3A_376 : i32 to index
        %parallel_loop3A_378 = arith.constant 0 : index
        %parallel_loop3A_379 = tpu.vector_load %arg14[%parallel_loop3A_377, %parallel_loop3A_378] {strides = array<i32>} : memref<128x128xf32, #tpu.memory_space<vmem>>, vector<1x16xf32>,
        %parallel_loop3A_380 = vector.shape_cast %parallel_loop3A_379 : vector<1x16xf32> to vector<16xf32>
        %parallel_loop3A_381 = arith.index_cast %parallel_loop3A_376 : i32 to index
        %parallel_loop3A_382 = arith.constant 0 : index
        %parallel_loop3A_383 = tpu.vector_load %arg11[%parallel_loop3A_381, %parallel_loop3A_382] {strides = array<i32>} : memref<128x128xf32, #tpu.memory_space<vmem>>, vector<1x16xf32>,
        %parallel_loop3A_384 = vector.shape_cast %parallel_loop3A_383 : vector<1x16xf32> to vector<16xf32>
        %parallel_loop3A_385 = vector.shape_cast %parallel_loop3A_380 : vector<16xf32> to vector<1x16xf32>
        tpu.vector_store %arg11[%parallel_loop3A_381, %parallel_loop3A_382], %parallel_loop3A_385 {add = true, strides = array<i32>} : memref<128x128xf32, #tpu.memory_space<vmem>>, vector<1x16xf32>,
        %parallel_loop3A_386 = arith.index_cast %parallel_loop3A_376 : i32 to index
        %parallel_loop3A_387 = arith.constant 16 : index
        %parallel_loop3A_388 = tpu.vector_load %arg14[%parallel_loop3A_386, %parallel_loop3A_387] {strides = array<i32>} : memref<128x128xf32, #tpu.memory_space<vmem>>, vector<1x16xf32>,
        %parallel_loop3A_389 = vector.shape_cast %parallel_loop3A_388 : vector<1x16xf32> to vector<16xf32>
        %parallel_loop3A_390 = arith.index_cast %parallel_loop3A_376 : i32 to index
        %parallel_loop3A_391 = arith.constant 16 : index
        %parallel_loop3A_392 = tpu.vector_load %arg11[%parallel_loop3A_390, %parallel_loop3A_391] {strides = array<i32>} : memref<128x128xf32, #tpu.memory_space<vmem>>, vector<1x16xf32>,
        %parallel_loop3A_393 = vector.shape_cast %parallel_loop3A_392 : vector<1x16xf32> to vector<16xf32>
        %parallel_loop3A_394 = vector.shape_cast %parallel_loop3A_389 : vector<16xf32> to vector<1x16xf32>
        tpu.vector_store %arg11[%parallel_loop3A_390, %parallel_loop3A_391], %parallel_loop3A_394 {add = true, strides = array<i32>} : memref<128x128xf32, #tpu.memory_space<vmem>>, vector<1x16xf32>,
        %parallel_loop3A_395 = arith.index_cast %parallel_loop3A_376 : i32 to index
        %parallel_loop3A_396 = arith.constant 32 : index
        %parallel_loop3A_397 = tpu.vector_load %arg14[%parallel_loop3A_395, %parallel_loop3A_396] {strides = array<i32>} : memref<128x128xf32, #tpu.memory_space<vmem>>, vector<1x16xf32>,
        %parallel_loop3A_398 = vector.shape_cast %parallel_loop3A_397 : vector<1x16xf32> to vector<16xf32>
        %parallel_loop3A_399 = arith.index_cast %parallel_loop3A_376 : i32 to index
        %parallel_loop3A_400 = arith.constant 32 : index
        %parallel_loop3A_401 = tpu.vector_load %arg11[%parallel_loop3A_399, %parallel_loop3A_400] {strides = array<i32>} : memref<128x128xf32, #tpu.memory_space<vmem>>, vector<1x16xf32>,
        %parallel_loop3A_402 = vector.shape_cast %parallel_loop3A_401 : vector<1x16xf32> to vector<16xf32>
        %parallel_loop3A_403 = vector.shape_cast %parallel_loop3A_398 : vector<16xf32> to vector<1x16xf32>
        tpu.vector_store %arg11[%parallel_loop3A_399, %parallel_loop3A_400], %parallel_loop3A_403 {add = true, strides = array<i32>} : memref<128x128xf32, #tpu.memory_space<vmem>>, vector<1x16xf32>,
        %parallel_loop3A_404 = arith.index_cast %parallel_loop3A_376 : i32 to index
        %parallel_loop3A_405 = arith.constant 48 : index
        %parallel_loop3A_406 = tpu.vector_load %arg14[%parallel_loop3A_404, %parallel_loop3A_405] {strides = array<i32>} : memref<128x128xf32, #tpu.memory_space<vmem>>, vector<1x16xf32>,
        %parallel_loop3A_407 = vector.shape_cast %parallel_loop3A_406 : vector<1x16xf32> to vector<16xf32>
        %parallel_loop3A_408 = arith.index_cast %parallel_loop3A_376 : i32 to index
        %parallel_loop3A_409 = arith.constant 48 : index
        %parallel_loop3A_410 = tpu.vector_load %arg11[%parallel_loop3A_408, %parallel_loop3A_409] {strides = array<i32>} : memref<128x128xf32, #tpu.memory_space<vmem>>, vector<1x16xf32>,
        %parallel_loop3A_411 = vector.shape_cast %parallel_loop3A_410 : vector<1x16xf32> to vector<16xf32>
        %parallel_loop3A_412 = vector.shape_cast %parallel_loop3A_407 : vector<16xf32> to vector<1x16xf32>
        tpu.vector_store %arg11[%parallel_loop3A_408, %parallel_loop3A_409], %parallel_loop3A_412 {add = true, strides = array<i32>} : memref<128x128xf32, #tpu.memory_space<vmem>>, vector<1x16xf32>,
        %parallel_loop3A_413 = arith.index_cast %parallel_loop3A_376 : i32 to index
        %parallel_loop3A_414 = arith.constant 64 : index
        %parallel_loop3A_415 = tpu.vector_load %arg14[%parallel_loop3A_413, %parallel_loop3A_414] {strides = array<i32>} : memref<128x128xf32, #tpu.memory_space<vmem>>, vector<1x16xf32>,
        %parallel_loop3A_416 = vector.shape_cast %parallel_loop3A_415 : vector<1x16xf32> to vector<16xf32>
        %parallel_loop3A_417 = arith.index_cast %parallel_loop3A_376 : i32 to index
        %parallel_loop3A_418 = arith.constant 64 : index
        %parallel_loop3A_419 = tpu.vector_load %arg11[%parallel_loop3A_417, %parallel_loop3A_418] {strides = array<i32>} : memref<128x128xf32, #tpu.memory_space<vmem>>, vector<1x16xf32>,
        %parallel_loop3A_420 = vector.shape_cast %parallel_loop3A_419 : vector<1x16xf32> to vector<16xf32>
        %parallel_loop3A_421 = vector.shape_cast %parallel_loop3A_416 : vector<16xf32> to vector<1x16xf32>
        tpu.vector_store %arg11[%parallel_loop3A_417, %parallel_loop3A_418], %parallel_loop3A_421 {add = true, strides = array<i32>} : memref<128x128xf32, #tpu.memory_space<vmem>>, vector<1x16xf32>,
        %parallel_loop3A_422 = arith.index_cast %parallel_loop3A_376 : i32 to index
        %parallel_loop3A_423 = arith.constant 80 : index
        %parallel_loop3A_424 = tpu.vector_load %arg14[%parallel_loop3A_422, %parallel_loop3A_423] {strides = array<i32>} : memref<128x128xf32, #tpu.memory_space<vmem>>, vector<1x16xf32>,
        %parallel_loop3A_425 = vector.shape_cast %parallel_loop3A_424 : vector<1x16xf32> to vector<16xf32>
        %parallel_loop3A_426 = arith.index_cast %parallel_loop3A_376 : i32 to index
        %parallel_loop3A_427 = arith.constant 80 : index
        %parallel_loop3A_428 = tpu.vector_load %arg11[%parallel_loop3A_426, %parallel_loop3A_427] {strides = array<i32>} : memref<128x128xf32, #tpu.memory_space<vmem>>, vector<1x16xf32>,
        %parallel_loop3A_429 = vector.shape_cast %parallel_loop3A_428 : vector<1x16xf32> to vector<16xf32>
        %parallel_loop3A_430 = vector.shape_cast %parallel_loop3A_425 : vector<16xf32> to vector<1x16xf32>
        tpu.vector_store %arg11[%parallel_loop3A_426, %parallel_loop3A_427], %parallel_loop3A_430 {add = true, strides = array<i32>} : memref<128x128xf32, #tpu.memory_space<vmem>>, vector<1x16xf32>,
        %parallel_loop3A_431 = arith.index_cast %parallel_loop3A_376 : i32 to index
        %parallel_loop3A_432 = arith.constant 96 : index
        %parallel_loop3A_433 = tpu.vector_load %arg14[%parallel_loop3A_431, %parallel_loop3A_432] {strides = array<i32>} : memref<128x128xf32, #tpu.memory_space<vmem>>, vector<1x16xf32>,
        %parallel_loop3A_434 = vector.shape_cast %parallel_loop3A_433 : vector<1x16xf32> to vector<16xf32>
        %parallel_loop3A_435 = arith.index_cast %parallel_loop3A_376 : i32 to index
        %parallel_loop3A_436 = arith.constant 96 : index
        %parallel_loop3A_437 = tpu.vector_load %arg11[%parallel_loop3A_435, %parallel_loop3A_436] {strides = array<i32>} : memref<128x128xf32, #tpu.memory_space<vmem>>, vector<1x16xf32>,
        %parallel_loop3A_438 = vector.shape_cast %parallel_loop3A_437 : vector<1x16xf32> to vector<16xf32>
        %parallel_loop3A_439 = vector.shape_cast %parallel_loop3A_434 : vector<16xf32> to vector<1x16xf32>
        tpu.vector_store %arg11[%parallel_loop3A_435, %parallel_loop3A_436], %parallel_loop3A_439 {add = true, strides = array<i32>} : memref<128x128xf32, #tpu.memory_space<vmem>>, vector<1x16xf32>,
        %parallel_loop3A_440 = arith.index_cast %parallel_loop3A_376 : i32 to index
        %parallel_loop3A_441 = arith.constant 112 : index
        %parallel_loop3A_442 = tpu.vector_load %arg14[%parallel_loop3A_440, %parallel_loop3A_441] {strides = array<i32>} : memref<128x128xf32, #tpu.memory_space<vmem>>, vector<1x16xf32>,
        %parallel_loop3A_443 = vector.shape_cast %parallel_loop3A_442 : vector<1x16xf32> to vector<16xf32>
        %parallel_loop3A_444 = arith.index_cast %parallel_loop3A_376 : i32 to index
        %parallel_loop3A_445 = arith.constant 112 : index
        %parallel_loop3A_446 = tpu.vector_load %arg11[%parallel_loop3A_444, %parallel_loop3A_445] {strides = array<i32>} : memref<128x128xf32, #tpu.memory_space<vmem>>, vector<1x16xf32>,
        %parallel_loop3A_447 = vector.shape_cast %parallel_loop3A_446 : vector<1x16xf32> to vector<16xf32>
        %parallel_loop3A_448 = vector.shape_cast %parallel_loop3A_443 : vector<16xf32> to vector<1x16xf32>
        tpu.vector_store %arg11[%parallel_loop3A_444, %parallel_loop3A_445], %parallel_loop3A_448 {add = true, strides = array<i32>} : memref<128x128xf32, #tpu.memory_space<vmem>>, vector<1x16xf32>,
      } {sc.loop_unroll_factor = 4 : i64, sc.parallel_access}
      %mul3A_206 = arith.constant 128 : i32
      %mul3A_207 = arith.muli %add3A_156, %mul3A_206 : i32
      %add3A_208 = arith.addi %add3A, %mul3A_207 : i32
      %add3A_209 = arith.constant 128 : i32
      %add3A_210 = arith.addi %add3A_208, %add3A_209 : i32
      %le3A_211 = arith.constant 100000 : i32
      %le3A_212 = arith.cmpi sle, %add3A_210, %le3A_211 : i32
      %convert_element_type3A_213 = arith.extui %le3A_212 : i1 to i32
      %cond3A_214 = arith.constant 0 : i32
      %cond3A_215 = arith.cmpi ne, %convert_element_type3A_213, %cond3A_214 : i32
      scf.if %cond3A_215 {
        %dma_start3A_376 = arith.constant 0 : i32
        %dma_start3A_377 = tpu.memref_slice %arg6[%add3A_208, %dma_start3A_376] : memref<100000x128xf32, #tpu.memory_space<hbm>> -> memref<128x128xf32, #tpu.memory_space<hbm>>
        %dma_start3A_378 = arith.constant 0 : i32
        %dma_start3A_379 = tpu.memref_slice %arg6[%add3A_208, %dma_start3A_378] : memref<100000x128xf32, #tpu.memory_space<hbm>> -> memref<128x128xf32, #tpu.memory_space<hbm>>
        tpu.enqueue_dma source(%arg11 : memref<128x128xf32, #tpu.memory_space<vmem>>) target(%dma_start3A_379 : memref<128x128xf32, #tpu.memory_space<hbm>>) target_semaphore(%arg23 : memref<!tpu.dma_semaphore, #tpu.memory_space<semaphore_mem>>)
      } else {
      }
      %lt3A_216 = arith.constant 100000 : i32
      %lt3A_217 = arith.cmpi slt, %add3A_208, %lt3A_216 : i32
      %add3A_218 = arith.constant 128 : i32
      %add3A_219 = arith.addi %add3A_208, %add3A_218 : i32
      %gt3A_220 = arith.constant 100000 : i32
      %gt3A_221 = arith.cmpi sgt, %add3A_219, %gt3A_220 : i32
      %and3A_222 = arith.andi %lt3A_217, %gt3A_221 : i1
      %convert_element_type3A_223 = arith.extui %and3A_222 : i1 to i32
      %cond3A_224 = arith.constant 0 : i32
      %cond3A_225 = arith.cmpi ne, %convert_element_type3A_223, %cond3A_224 : i32
      scf.if %cond3A_225 {
        %dma_start3A_376 = arith.constant 0 : i32
        %dma_start3A_377 = arith.constant 0 : i32
        %dma_start3A_378 = tpu.memref_slice %arg11[%dma_start3A_376, %dma_start3A_377] : memref<128x128xf32, #tpu.memory_space<vmem>> -> memref<32x128xf32, #tpu.memory_space<vmem>>
        %dma_start3A_379 = arith.constant 0 : i32
        %dma_start3A_380 = tpu.memref_slice %arg6[%add3A_208, %dma_start3A_379] : memref<100000x128xf32, #tpu.memory_space<hbm>> -> memref<32x128xf32, #tpu.memory_space<hbm>>
        %dma_start3A_381 = arith.constant 0 : i32
        %dma_start3A_382 = tpu.memref_slice %arg6[%add3A_208, %dma_start3A_381] : memref<100000x128xf32, #tpu.memory_space<hbm>> -> memref<32x128xf32, #tpu.memory_space<hbm>>
        %dma_start3A_383 = arith.constant 0 : i32
        %dma_start3A_384 = arith.constant 0 : i32
        %dma_start3A_385 = tpu.memref_slice %arg11[%dma_start3A_383, %dma_start3A_384] : memref<128x128xf32, #tpu.memory_space<vmem>> -> memref<32x128xf32, #tpu.memory_space<vmem>>
        tpu.enqueue_dma source(%dma_start3A_385 : memref<32x128xf32, #tpu.memory_space<vmem>>) target(%dma_start3A_382 : memref<32x128xf32, #tpu.memory_space<hbm>>) target_semaphore(%arg23 : memref<!tpu.dma_semaphore, #tpu.memory_space<semaphore_mem>>)
      } else {
      }
      %mul3A_226 = arith.constant 3 : i32
      %mul3A_227 = arith.muli %mul3A_226, %scan3A_152 : i32
      %add3A_228 = arith.constant 1 : i32
      %add3A_229 = arith.addi %mul3A_227, %add3A_228 : i32
      %sub3A_230 = arith.constant 2 : i32
      %sub3A_231 = arith.subi %add3A_229, %sub3A_230 : i32
      %ge3A_232 = arith.constant 2 : i32
      %ge3A_233 = arith.cmpi sge, %add3A_229, %ge3A_232 : i32
      %mul3A_234 = arith.constant 128 : i32
      %mul3A_235 = arith.muli %sub3A_231, %mul3A_234 : i32
      %add3A_236 = arith.addi %add3A, %mul3A_235 : i32
      %add3A_237 = arith.constant 128 : i32
      %add3A_238 = arith.addi %add3A_236, %add3A_237 : i32
      %le3A_239 = arith.constant 100000 : i32
      %le3A_240 = arith.cmpi sle, %add3A_238, %le3A_239 : i32
      %and3A_241 = arith.andi %ge3A_233, %le3A_240 : i1
      %lt3A_242 = arith.constant 100000 : i32
      %lt3A_243 = arith.cmpi slt, %add3A_236, %lt3A_242 : i32
      %add3A_244 = arith.constant 128 : i32
      %add3A_245 = arith.addi %add3A_236, %add3A_244 : i32
      %gt3A_246 = arith.constant 100000 : i32
      %gt3A_247 = arith.cmpi sgt, %add3A_245, %gt3A_246 : i32
      %and3A_248 = arith.andi %lt3A_243, %gt3A_247 : i1
      %and3A_249 = arith.andi %ge3A_233, %and3A_248 : i1
      %convert_element_type3A_250 = arith.extui %and3A_241 : i1 to i32
      %cond3A_251 = arith.constant 0 : i32
      %cond3A_252 = arith.cmpi ne, %convert_element_type3A_250, %cond3A_251 : i32
      scf.if %cond3A_252 {
        %dma_wait3A_376 = arith.constant 0 : i32
        %dma_wait3A_377 = tpu.memref_slice %arg6[%add3A_236, %dma_wait3A_376] : memref<100000x128xf32, #tpu.memory_space<hbm>> -> memref<128x128xf32, #tpu.memory_space<hbm>>
        %dma_wait3A_378 = arith.constant 0 : i32
        %dma_wait3A_379 = tpu.memref_slice %arg6[%add3A_236, %dma_wait3A_378] : memref<100000x128xf32, #tpu.memory_space<hbm>> -> memref<128x128xf32, #tpu.memory_space<hbm>>
        tpu.wait_dma2 semaphore(%arg25 : memref<!tpu.dma_semaphore, #tpu.memory_space<semaphore_mem>>) src(%arg13 : memref<128x128xf32, #tpu.memory_space<vmem>>) dst(%dma_wait3A_379 : memref<128x128xf32, #tpu.memory_space<hbm>>)
      } else {
      }
      %convert_element_type3A_253 = arith.extui %and3A_249 : i1 to i32
      %cond3A_254 = arith.constant 0 : i32
      %cond3A_255 = arith.cmpi ne, %convert_element_type3A_253, %cond3A_254 : i32
      scf.if %cond3A_255 {
        %dma_wait3A_376 = arith.constant 0 : i32
        %dma_wait3A_377 = arith.constant 0 : i32
        %dma_wait3A_378 = tpu.memref_slice %arg13[%dma_wait3A_376, %dma_wait3A_377] : memref<128x128xf32, #tpu.memory_space<vmem>> -> memref<32x128xf32, #tpu.memory_space<vmem>>
        %dma_wait3A_379 = arith.constant 0 : i32
        %dma_wait3A_380 = tpu.memref_slice %arg6[%add3A_236, %dma_wait3A_379] : memref<100000x128xf32, #tpu.memory_space<hbm>> -> memref<32x128xf32, #tpu.memory_space<hbm>>
        %dma_wait3A_381 = arith.constant 0 : i32
        %dma_wait3A_382 = tpu.memref_slice %arg6[%add3A_236, %dma_wait3A_381] : memref<100000x128xf32, #tpu.memory_space<hbm>> -> memref<32x128xf32, #tpu.memory_space<hbm>>
        %dma_wait3A_383 = arith.constant 0 : i32
        %dma_wait3A_384 = arith.constant 0 : i32
        %dma_wait3A_385 = tpu.memref_slice %arg13[%dma_wait3A_383, %dma_wait3A_384] : memref<128x128xf32, #tpu.memory_space<vmem>> -> memref<32x128xf32, #tpu.memory_space<vmem>>
        tpu.wait_dma2 semaphore(%arg25 : memref<!tpu.dma_semaphore, #tpu.memory_space<semaphore_mem>>) src(%dma_wait3A_385 : memref<32x128xf32, #tpu.memory_space<vmem>>) dst(%dma_wait3A_382 : memref<32x128xf32, #tpu.memory_space<hbm>>)
      } else {
      }
      %add3A_256 = arith.constant 1 : i32
      %add3A_257 = arith.addi %add3A_229, %add3A_256 : i32
      %mul3A_258 = arith.constant 128 : i32
      %mul3A_259 = arith.muli %add3A_257, %mul3A_258 : i32
      %dma_start3A_260 = tpu.memref_slice %arg7[%mul3A_259] : memref<3200xi32, #tpu.memory_space<vmem>> -> memref<128xi32, #tpu.memory_space<vmem>>
      %dma_start3A_261 = arith.constant 0 : i32
      %dma_start3A_262 = arith.constant 0 : i32
      %dma_start3A_263 = tpu.memref_slice %arg9[%dma_start3A_261, %dma_start3A_262] : memref<512x128xf32, #tpu.memory_space<vmem_shared>> -> memref<512x128xf32, #tpu.memory_space<vmem_shared>>
      tpu.enqueue_indirect_dma source(%dma_start3A_263 : memref<512x128xf32, #tpu.memory_space<vmem_shared>>) target(%arg13 : memref<128x128xf32, #tpu.memory_space<vmem>>) offsets(%dma_start3A_260 : memref<128xi32, #tpu.memory_space<vmem>>) semaphore(%arg19 : memref<!tpu.dma_semaphore, #tpu.memory_space<semaphore_mem>>)
      %dma_start3A_264 = tpu.memref_slice %arg8[%mul3A_259] : memref<3200xi32, #tpu.memory_space<vmem>> -> memref<128xi32, #tpu.memory_space<vmem>>
      %dma_start3A_265 = arith.constant 0 : i32
      %dma_start3A_266 = arith.constant 0 : i32
      %dma_start3A_267 = tpu.memref_slice %arg10[%dma_start3A_265, %dma_start3A_266] : memref<512x128xf32, #tpu.memory_space<vmem_shared>> -> memref<512x128xf32, #tpu.memory_space<vmem_shared>>
      tpu.enqueue_indirect_dma source(%dma_start3A_267 : memref<512x128xf32, #tpu.memory_space<vmem_shared>>) target(%arg16 : memref<128x128xf32, #tpu.memory_space<vmem>>) offsets(%dma_start3A_264 : memref<128xi32, #tpu.memory_space<vmem>>) semaphore(%arg22 : memref<!tpu.dma_semaphore, #tpu.memory_space<semaphore_mem>>)
      %dma_wait3A_268 = arith.constant 0 : i32
      %dma_wait3A_269 = tpu.memref_slice %arg7[%dma_wait3A_268] : memref<3200xi32, #tpu.memory_space<vmem>> -> memref<128xi32, #tpu.memory_space<vmem>>
      %dma_wait3A_270 = arith.constant 0 : i32
      %dma_wait3A_271 = arith.constant 0 : i32
      %dma_wait3A_272 = tpu.memref_slice %arg9[%dma_wait3A_270, %dma_wait3A_271] : memref<512x128xf32, #tpu.memory_space<vmem_shared>> -> memref<512x128xf32, #tpu.memory_space<vmem_shared>>
      tpu.wait_indirect_dma semaphore(%arg18 : memref<!tpu.dma_semaphore, #tpu.memory_space<semaphore_mem>>) src(%dma_wait3A_272 : memref<512x128xf32, #tpu.memory_space<vmem_shared>>) dst(%arg12 : memref<128x128xf32, #tpu.memory_space<vmem>>)
      %dma_wait3A_273 = arith.constant 0 : i32
      %dma_wait3A_274 = tpu.memref_slice %arg8[%dma_wait3A_273] : memref<3200xi32, #tpu.memory_space<vmem>> -> memref<128xi32, #tpu.memory_space<vmem>>
      %dma_wait3A_275 = arith.constant 0 : i32
      %dma_wait3A_276 = arith.constant 0 : i32
      %dma_wait3A_277 = tpu.memref_slice %arg10[%dma_wait3A_275, %dma_wait3A_276] : memref<512x128xf32, #tpu.memory_space<vmem_shared>> -> memref<512x128xf32, #tpu.memory_space<vmem_shared>>
      tpu.wait_indirect_dma semaphore(%arg21 : memref<!tpu.dma_semaphore, #tpu.memory_space<semaphore_mem>>) src(%dma_wait3A_277 : memref<512x128xf32, #tpu.memory_space<vmem_shared>>) dst(%arg15 : memref<128x128xf32, #tpu.memory_space<vmem>>)
      %parallel_loop3A_278 = arith.constant 0 : i32
      %parallel_loop3A_279 = arith.constant 128 : i32
      %parallel_loop3A_280 = arith.constant 1 : i32
      scf.for %parallel_loop3A_376 = %parallel_loop3A_278 to %parallel_loop3A_279 step %parallel_loop3A_280  : i32 {
        %parallel_loop3A_377 = arith.index_cast %parallel_loop3A_376 : i32 to index
        %parallel_loop3A_378 = arith.constant 0 : index
        %parallel_loop3A_379 = tpu.vector_load %arg15[%parallel_loop3A_377, %parallel_loop3A_378] {strides = array<i32>} : memref<128x128xf32, #tpu.memory_space<vmem>>, vector<1x16xf32>,
        %parallel_loop3A_380 = vector.shape_cast %parallel_loop3A_379 : vector<1x16xf32> to vector<16xf32>
        %parallel_loop3A_381 = arith.index_cast %parallel_loop3A_376 : i32 to index
        %parallel_loop3A_382 = arith.constant 0 : index
        %parallel_loop3A_383 = tpu.vector_load %arg12[%parallel_loop3A_381, %parallel_loop3A_382] {strides = array<i32>} : memref<128x128xf32, #tpu.memory_space<vmem>>, vector<1x16xf32>,
        %parallel_loop3A_384 = vector.shape_cast %parallel_loop3A_383 : vector<1x16xf32> to vector<16xf32>
        %parallel_loop3A_385 = vector.shape_cast %parallel_loop3A_380 : vector<16xf32> to vector<1x16xf32>
        tpu.vector_store %arg12[%parallel_loop3A_381, %parallel_loop3A_382], %parallel_loop3A_385 {add = true, strides = array<i32>} : memref<128x128xf32, #tpu.memory_space<vmem>>, vector<1x16xf32>,
        %parallel_loop3A_386 = arith.index_cast %parallel_loop3A_376 : i32 to index
        %parallel_loop3A_387 = arith.constant 16 : index
        %parallel_loop3A_388 = tpu.vector_load %arg15[%parallel_loop3A_386, %parallel_loop3A_387] {strides = array<i32>} : memref<128x128xf32, #tpu.memory_space<vmem>>, vector<1x16xf32>,
        %parallel_loop3A_389 = vector.shape_cast %parallel_loop3A_388 : vector<1x16xf32> to vector<16xf32>
        %parallel_loop3A_390 = arith.index_cast %parallel_loop3A_376 : i32 to index
        %parallel_loop3A_391 = arith.constant 16 : index
        %parallel_loop3A_392 = tpu.vector_load %arg12[%parallel_loop3A_390, %parallel_loop3A_391] {strides = array<i32>} : memref<128x128xf32, #tpu.memory_space<vmem>>, vector<1x16xf32>,
        %parallel_loop3A_393 = vector.shape_cast %parallel_loop3A_392 : vector<1x16xf32> to vector<16xf32>
        %parallel_loop3A_394 = vector.shape_cast %parallel_loop3A_389 : vector<16xf32> to vector<1x16xf32>
        tpu.vector_store %arg12[%parallel_loop3A_390, %parallel_loop3A_391], %parallel_loop3A_394 {add = true, strides = array<i32>} : memref<128x128xf32, #tpu.memory_space<vmem>>, vector<1x16xf32>,
        %parallel_loop3A_395 = arith.index_cast %parallel_loop3A_376 : i32 to index
        %parallel_loop3A_396 = arith.constant 32 : index
        %parallel_loop3A_397 = tpu.vector_load %arg15[%parallel_loop3A_395, %parallel_loop3A_396] {strides = array<i32>} : memref<128x128xf32, #tpu.memory_space<vmem>>, vector<1x16xf32>,
        %parallel_loop3A_398 = vector.shape_cast %parallel_loop3A_397 : vector<1x16xf32> to vector<16xf32>
        %parallel_loop3A_399 = arith.index_cast %parallel_loop3A_376 : i32 to index
        %parallel_loop3A_400 = arith.constant 32 : index
        %parallel_loop3A_401 = tpu.vector_load %arg12[%parallel_loop3A_399, %parallel_loop3A_400] {strides = array<i32>} : memref<128x128xf32, #tpu.memory_space<vmem>>, vector<1x16xf32>,
        %parallel_loop3A_402 = vector.shape_cast %parallel_loop3A_401 : vector<1x16xf32> to vector<16xf32>
        %parallel_loop3A_403 = vector.shape_cast %parallel_loop3A_398 : vector<16xf32> to vector<1x16xf32>
        tpu.vector_store %arg12[%parallel_loop3A_399, %parallel_loop3A_400], %parallel_loop3A_403 {add = true, strides = array<i32>} : memref<128x128xf32, #tpu.memory_space<vmem>>, vector<1x16xf32>,
        %parallel_loop3A_404 = arith.index_cast %parallel_loop3A_376 : i32 to index
        %parallel_loop3A_405 = arith.constant 48 : index
        %parallel_loop3A_406 = tpu.vector_load %arg15[%parallel_loop3A_404, %parallel_loop3A_405] {strides = array<i32>} : memref<128x128xf32, #tpu.memory_space<vmem>>, vector<1x16xf32>,
        %parallel_loop3A_407 = vector.shape_cast %parallel_loop3A_406 : vector<1x16xf32> to vector<16xf32>
        %parallel_loop3A_408 = arith.index_cast %parallel_loop3A_376 : i32 to index
        %parallel_loop3A_409 = arith.constant 48 : index
        %parallel_loop3A_410 = tpu.vector_load %arg12[%parallel_loop3A_408, %parallel_loop3A_409] {strides = array<i32>} : memref<128x128xf32, #tpu.memory_space<vmem>>, vector<1x16xf32>,
        %parallel_loop3A_411 = vector.shape_cast %parallel_loop3A_410 : vector<1x16xf32> to vector<16xf32>
        %parallel_loop3A_412 = vector.shape_cast %parallel_loop3A_407 : vector<16xf32> to vector<1x16xf32>
        tpu.vector_store %arg12[%parallel_loop3A_408, %parallel_loop3A_409], %parallel_loop3A_412 {add = true, strides = array<i32>} : memref<128x128xf32, #tpu.memory_space<vmem>>, vector<1x16xf32>,
        %parallel_loop3A_413 = arith.index_cast %parallel_loop3A_376 : i32 to index
        %parallel_loop3A_414 = arith.constant 64 : index
        %parallel_loop3A_415 = tpu.vector_load %arg15[%parallel_loop3A_413, %parallel_loop3A_414] {strides = array<i32>} : memref<128x128xf32, #tpu.memory_space<vmem>>, vector<1x16xf32>,
        %parallel_loop3A_416 = vector.shape_cast %parallel_loop3A_415 : vector<1x16xf32> to vector<16xf32>
        %parallel_loop3A_417 = arith.index_cast %parallel_loop3A_376 : i32 to index
        %parallel_loop3A_418 = arith.constant 64 : index
        %parallel_loop3A_419 = tpu.vector_load %arg12[%parallel_loop3A_417, %parallel_loop3A_418] {strides = array<i32>} : memref<128x128xf32, #tpu.memory_space<vmem>>, vector<1x16xf32>,
        %parallel_loop3A_420 = vector.shape_cast %parallel_loop3A_419 : vector<1x16xf32> to vector<16xf32>
        %parallel_loop3A_421 = vector.shape_cast %parallel_loop3A_416 : vector<16xf32> to vector<1x16xf32>
        tpu.vector_store %arg12[%parallel_loop3A_417, %parallel_loop3A_418], %parallel_loop3A_421 {add = true, strides = array<i32>} : memref<128x128xf32, #tpu.memory_space<vmem>>, vector<1x16xf32>,
        %parallel_loop3A_422 = arith.index_cast %parallel_loop3A_376 : i32 to index
        %parallel_loop3A_423 = arith.constant 80 : index
        %parallel_loop3A_424 = tpu.vector_load %arg15[%parallel_loop3A_422, %parallel_loop3A_423] {strides = array<i32>} : memref<128x128xf32, #tpu.memory_space<vmem>>, vector<1x16xf32>,
        %parallel_loop3A_425 = vector.shape_cast %parallel_loop3A_424 : vector<1x16xf32> to vector<16xf32>
        %parallel_loop3A_426 = arith.index_cast %parallel_loop3A_376 : i32 to index
        %parallel_loop3A_427 = arith.constant 80 : index
        %parallel_loop3A_428 = tpu.vector_load %arg12[%parallel_loop3A_426, %parallel_loop3A_427] {strides = array<i32>} : memref<128x128xf32, #tpu.memory_space<vmem>>, vector<1x16xf32>,
        %parallel_loop3A_429 = vector.shape_cast %parallel_loop3A_428 : vector<1x16xf32> to vector<16xf32>
        %parallel_loop3A_430 = vector.shape_cast %parallel_loop3A_425 : vector<16xf32> to vector<1x16xf32>
        tpu.vector_store %arg12[%parallel_loop3A_426, %parallel_loop3A_427], %parallel_loop3A_430 {add = true, strides = array<i32>} : memref<128x128xf32, #tpu.memory_space<vmem>>, vector<1x16xf32>,
        %parallel_loop3A_431 = arith.index_cast %parallel_loop3A_376 : i32 to index
        %parallel_loop3A_432 = arith.constant 96 : index
        %parallel_loop3A_433 = tpu.vector_load %arg15[%parallel_loop3A_431, %parallel_loop3A_432] {strides = array<i32>} : memref<128x128xf32, #tpu.memory_space<vmem>>, vector<1x16xf32>,
        %parallel_loop3A_434 = vector.shape_cast %parallel_loop3A_433 : vector<1x16xf32> to vector<16xf32>
        %parallel_loop3A_435 = arith.index_cast %parallel_loop3A_376 : i32 to index
        %parallel_loop3A_436 = arith.constant 96 : index
        %parallel_loop3A_437 = tpu.vector_load %arg12[%parallel_loop3A_435, %parallel_loop3A_436] {strides = array<i32>} : memref<128x128xf32, #tpu.memory_space<vmem>>, vector<1x16xf32>,
        %parallel_loop3A_438 = vector.shape_cast %parallel_loop3A_437 : vector<1x16xf32> to vector<16xf32>
        %parallel_loop3A_439 = vector.shape_cast %parallel_loop3A_434 : vector<16xf32> to vector<1x16xf32>
        tpu.vector_store %arg12[%parallel_loop3A_435, %parallel_loop3A_436], %parallel_loop3A_439 {add = true, strides = array<i32>} : memref<128x128xf32, #tpu.memory_space<vmem>>, vector<1x16xf32>,
        %parallel_loop3A_440 = arith.index_cast %parallel_loop3A_376 : i32 to index
        %parallel_loop3A_441 = arith.constant 112 : index
        %parallel_loop3A_442 = tpu.vector_load %arg15[%parallel_loop3A_440, %parallel_loop3A_441] {strides = array<i32>} : memref<128x128xf32, #tpu.memory_space<vmem>>, vector<1x16xf32>,
        %parallel_loop3A_443 = vector.shape_cast %parallel_loop3A_442 : vector<1x16xf32> to vector<16xf32>
        %parallel_loop3A_444 = arith.index_cast %parallel_loop3A_376 : i32 to index
        %parallel_loop3A_445 = arith.constant 112 : index
        %parallel_loop3A_446 = tpu.vector_load %arg12[%parallel_loop3A_444, %parallel_loop3A_445] {strides = array<i32>} : memref<128x128xf32, #tpu.memory_space<vmem>>, vector<1x16xf32>,
        %parallel_loop3A_447 = vector.shape_cast %parallel_loop3A_446 : vector<1x16xf32> to vector<16xf32>
        %parallel_loop3A_448 = vector.shape_cast %parallel_loop3A_443 : vector<16xf32> to vector<1x16xf32>
        tpu.vector_store %arg12[%parallel_loop3A_444, %parallel_loop3A_445], %parallel_loop3A_448 {add = true, strides = array<i32>} : memref<128x128xf32, #tpu.memory_space<vmem>>, vector<1x16xf32>,
      } {sc.loop_unroll_factor = 4 : i64, sc.parallel_access}
      %mul3A_281 = arith.constant 128 : i32
      %mul3A_282 = arith.muli %add3A_229, %mul3A_281 : i32
      %add3A_283 = arith.addi %add3A, %mul3A_282 : i32
      %add3A_284 = arith.constant 128 : i32
      %add3A_285 = arith.addi %add3A_283, %add3A_284 : i32
      %le3A_286 = arith.constant 100000 : i32
      %le3A_287 = arith.cmpi sle, %add3A_285, %le3A_286 : i32
      %convert_element_type3A_288 = arith.extui %le3A_287 : i1 to i32
      %cond3A_289 = arith.constant 0 : i32
      %cond3A_290 = arith.cmpi ne, %convert_element_type3A_288, %cond3A_289 : i32
      scf.if %cond3A_290 {
        %dma_start3A_376 = arith.constant 0 : i32
        %dma_start3A_377 = tpu.memref_slice %arg6[%add3A_283, %dma_start3A_376] : memref<100000x128xf32, #tpu.memory_space<hbm>> -> memref<128x128xf32, #tpu.memory_space<hbm>>
        %dma_start3A_378 = arith.constant 0 : i32
        %dma_start3A_379 = tpu.memref_slice %arg6[%add3A_283, %dma_start3A_378] : memref<100000x128xf32, #tpu.memory_space<hbm>> -> memref<128x128xf32, #tpu.memory_space<hbm>>
        tpu.enqueue_dma source(%arg12 : memref<128x128xf32, #tpu.memory_space<vmem>>) target(%dma_start3A_379 : memref<128x128xf32, #tpu.memory_space<hbm>>) target_semaphore(%arg24 : memref<!tpu.dma_semaphore, #tpu.memory_space<semaphore_mem>>)
      } else {
      }
      %lt3A_291 = arith.constant 100000 : i32
      %lt3A_292 = arith.cmpi slt, %add3A_283, %lt3A_291 : i32
      %add3A_293 = arith.constant 128 : i32
      %add3A_294 = arith.addi %add3A_283, %add3A_293 : i32
      %gt3A_295 = arith.constant 100000 : i32
      %gt3A_296 = arith.cmpi sgt, %add3A_294, %gt3A_295 : i32
      %and3A_297 = arith.andi %lt3A_292, %gt3A_296 : i1
      %convert_element_type3A_298 = arith.extui %and3A_297 : i1 to i32
      %cond3A_299 = arith.constant 0 : i32
      %cond3A_300 = arith.cmpi ne, %convert_element_type3A_298, %cond3A_299 : i32
      scf.if %cond3A_300 {
        %dma_start3A_376 = arith.constant 0 : i32
        %dma_start3A_377 = arith.constant 0 : i32
        %dma_start3A_378 = tpu.memref_slice %arg12[%dma_start3A_376, %dma_start3A_377] : memref<128x128xf32, #tpu.memory_space<vmem>> -> memref<32x128xf32, #tpu.memory_space<vmem>>
        %dma_start3A_379 = arith.constant 0 : i32
        %dma_start3A_380 = tpu.memref_slice %arg6[%add3A_283, %dma_start3A_379] : memref<100000x128xf32, #tpu.memory_space<hbm>> -> memref<32x128xf32, #tpu.memory_space<hbm>>
        %dma_start3A_381 = arith.constant 0 : i32
        %dma_start3A_382 = tpu.memref_slice %arg6[%add3A_283, %dma_start3A_381] : memref<100000x128xf32, #tpu.memory_space<hbm>> -> memref<32x128xf32, #tpu.memory_space<hbm>>
        %dma_start3A_383 = arith.constant 0 : i32
        %dma_start3A_384 = arith.constant 0 : i32
        %dma_start3A_385 = tpu.memref_slice %arg12[%dma_start3A_383, %dma_start3A_384] : memref<128x128xf32, #tpu.memory_space<vmem>> -> memref<32x128xf32, #tpu.memory_space<vmem>>
        tpu.enqueue_dma source(%dma_start3A_385 : memref<32x128xf32, #tpu.memory_space<vmem>>) target(%dma_start3A_382 : memref<32x128xf32, #tpu.memory_space<hbm>>) target_semaphore(%arg24 : memref<!tpu.dma_semaphore, #tpu.memory_space<semaphore_mem>>)
      } else {
      }
      %mul3A_301 = arith.constant 3 : i32
      %mul3A_302 = arith.muli %mul3A_301, %scan3A_152 : i32
      %add3A_303 = arith.constant 2 : i32
      %add3A_304 = arith.addi %mul3A_302, %add3A_303 : i32
      %sub3A_305 = arith.constant 2 : i32
      %sub3A_306 = arith.subi %add3A_304, %sub3A_305 : i32
      %ge3A_307 = arith.constant 2 : i32
      %ge3A_308 = arith.cmpi sge, %add3A_304, %ge3A_307 : i32
      %mul3A_309 = arith.constant 128 : i32
      %mul3A_310 = arith.muli %sub3A_306, %mul3A_309 : i32
      %add3A_311 = arith.addi %add3A, %mul3A_310 : i32
      %add3A_312 = arith.constant 128 : i32
      %add3A_313 = arith.addi %add3A_311, %add3A_312 : i32
      %le3A_314 = arith.constant 100000 : i32
      %le3A_315 = arith.cmpi sle, %add3A_313, %le3A_314 : i32
      %and3A_316 = arith.andi %ge3A_308, %le3A_315 : i1
      %lt3A_317 = arith.constant 100000 : i32
      %lt3A_318 = arith.cmpi slt, %add3A_311, %lt3A_317 : i32
      %add3A_319 = arith.constant 128 : i32
      %add3A_320 = arith.addi %add3A_311, %add3A_319 : i32
      %gt3A_321 = arith.constant 100000 : i32
      %gt3A_322 = arith.cmpi sgt, %add3A_320, %gt3A_321 : i32
      %and3A_323 = arith.andi %lt3A_318, %gt3A_322 : i1
      %and3A_324 = arith.andi %ge3A_308, %and3A_323 : i1
      %convert_element_type3A_325 = arith.extui %and3A_316 : i1 to i32
      %cond3A_326 = arith.constant 0 : i32
      %cond3A_327 = arith.cmpi ne, %convert_element_type3A_325, %cond3A_326 : i32
      scf.if %cond3A_327 {
        %dma_wait3A_376 = arith.constant 0 : i32
        %dma_wait3A_377 = tpu.memref_slice %arg6[%add3A_311, %dma_wait3A_376] : memref<100000x128xf32, #tpu.memory_space<hbm>> -> memref<128x128xf32, #tpu.memory_space<hbm>>
        %dma_wait3A_378 = arith.constant 0 : i32
        %dma_wait3A_379 = tpu.memref_slice %arg6[%add3A_311, %dma_wait3A_378] : memref<100000x128xf32, #tpu.memory_space<hbm>> -> memref<128x128xf32, #tpu.memory_space<hbm>>
        tpu.wait_dma2 semaphore(%arg23 : memref<!tpu.dma_semaphore, #tpu.memory_space<semaphore_mem>>) src(%arg11 : memref<128x128xf32, #tpu.memory_space<vmem>>) dst(%dma_wait3A_379 : memref<128x128xf32, #tpu.memory_space<hbm>>)
      } else {
      }
      %convert_element_type3A_328 = arith.extui %and3A_324 : i1 to i32
      %cond3A_329 = arith.constant 0 : i32
      %cond3A_330 = arith.cmpi ne, %convert_element_type3A_328, %cond3A_329 : i32
      scf.if %cond3A_330 {
        %dma_wait3A_376 = arith.constant 0 : i32
        %dma_wait3A_377 = arith.constant 0 : i32
        %dma_wait3A_378 = tpu.memref_slice %arg11[%dma_wait3A_376, %dma_wait3A_377] : memref<128x128xf32, #tpu.memory_space<vmem>> -> memref<32x128xf32, #tpu.memory_space<vmem>>
        %dma_wait3A_379 = arith.constant 0 : i32
        %dma_wait3A_380 = tpu.memref_slice %arg6[%add3A_311, %dma_wait3A_379] : memref<100000x128xf32, #tpu.memory_space<hbm>> -> memref<32x128xf32, #tpu.memory_space<hbm>>
        %dma_wait3A_381 = arith.constant 0 : i32
        %dma_wait3A_382 = tpu.memref_slice %arg6[%add3A_311, %dma_wait3A_381] : memref<100000x128xf32, #tpu.memory_space<hbm>> -> memref<32x128xf32, #tpu.memory_space<hbm>>
        %dma_wait3A_383 = arith.constant 0 : i32
        %dma_wait3A_384 = arith.constant 0 : i32
        %dma_wait3A_385 = tpu.memref_slice %arg11[%dma_wait3A_383, %dma_wait3A_384] : memref<128x128xf32, #tpu.memory_space<vmem>> -> memref<32x128xf32, #tpu.memory_space<vmem>>
        tpu.wait_dma2 semaphore(%arg23 : memref<!tpu.dma_semaphore, #tpu.memory_space<semaphore_mem>>) src(%dma_wait3A_385 : memref<32x128xf32, #tpu.memory_space<vmem>>) dst(%dma_wait3A_382 : memref<32x128xf32, #tpu.memory_space<hbm>>)
      } else {
      }
      %add3A_331 = arith.constant 1 : i32
      %add3A_332 = arith.addi %add3A_304, %add3A_331 : i32
      %mul3A_333 = arith.constant 128 : i32
      %mul3A_334 = arith.muli %add3A_332, %mul3A_333 : i32
      %dma_start3A_335 = tpu.memref_slice %arg7[%mul3A_334] : memref<3200xi32, #tpu.memory_space<vmem>> -> memref<128xi32, #tpu.memory_space<vmem>>
      %dma_start3A_336 = arith.constant 0 : i32
      %dma_start3A_337 = arith.constant 0 : i32
      %dma_start3A_338 = tpu.memref_slice %arg9[%dma_start3A_336, %dma_start3A_337] : memref<512x128xf32, #tpu.memory_space<vmem_shared>> -> memref<512x128xf32, #tpu.memory_space<vmem_shared>>
      tpu.enqueue_indirect_dma source(%dma_start3A_338 : memref<512x128xf32, #tpu.memory_space<vmem_shared>>) target(%arg11 : memref<128x128xf32, #tpu.memory_space<vmem>>) offsets(%dma_start3A_335 : memref<128xi32, #tpu.memory_space<vmem>>) semaphore(%arg17 : memref<!tpu.dma_semaphore, #tpu.memory_space<semaphore_mem>>)
      %dma_start3A_339 = tpu.memref_slice %arg8[%mul3A_334] : memref<3200xi32, #tpu.memory_space<vmem>> -> memref<128xi32, #tpu.memory_space<vmem>>
      %dma_start3A_340 = arith.constant 0 : i32
      %dma_start3A_341 = arith.constant 0 : i32
      %dma_start3A_342 = tpu.memref_slice %arg10[%dma_start3A_340, %dma_start3A_341] : memref<512x128xf32, #tpu.memory_space<vmem_shared>> -> memref<512x128xf32, #tpu.memory_space<vmem_shared>>
      tpu.enqueue_indirect_dma source(%dma_start3A_342 : memref<512x128xf32, #tpu.memory_space<vmem_shared>>) target(%arg14 : memref<128x128xf32, #tpu.memory_space<vmem>>) offsets(%dma_start3A_339 : memref<128xi32, #tpu.memory_space<vmem>>) semaphore(%arg20 : memref<!tpu.dma_semaphore, #tpu.memory_space<semaphore_mem>>)
      %dma_wait3A_343 = arith.constant 0 : i32
      %dma_wait3A_344 = tpu.memref_slice %arg7[%dma_wait3A_343] : memref<3200xi32, #tpu.memory_space<vmem>> -> memref<128xi32, #tpu.memory_space<vmem>>
      %dma_wait3A_345 = arith.constant 0 : i32
      %dma_wait3A_346 = arith.constant 0 : i32
      %dma_wait3A_347 = tpu.memref_slice %arg9[%dma_wait3A_345, %dma_wait3A_346] : memref<512x128xf32, #tpu.memory_space<vmem_shared>> -> memref<512x128xf32, #tpu.memory_space<vmem_shared>>
      tpu.wait_indirect_dma semaphore(%arg19 : memref<!tpu.dma_semaphore, #tpu.memory_space<semaphore_mem>>) src(%dma_wait3A_347 : memref<512x128xf32, #tpu.memory_space<vmem_shared>>) dst(%arg13 : memref<128x128xf32, #tpu.memory_space<vmem>>)
      %dma_wait3A_348 = arith.constant 0 : i32
      %dma_wait3A_349 = tpu.memref_slice %arg8[%dma_wait3A_348] : memref<3200xi32, #tpu.memory_space<vmem>> -> memref<128xi32, #tpu.memory_space<vmem>>
      %dma_wait3A_350 = arith.constant 0 : i32
      %dma_wait3A_351 = arith.constant 0 : i32
      %dma_wait3A_352 = tpu.memref_slice %arg10[%dma_wait3A_350, %dma_wait3A_351] : memref<512x128xf32, #tpu.memory_space<vmem_shared>> -> memref<512x128xf32, #tpu.memory_space<vmem_shared>>
      tpu.wait_indirect_dma semaphore(%arg22 : memref<!tpu.dma_semaphore, #tpu.memory_space<semaphore_mem>>) src(%dma_wait3A_352 : memref<512x128xf32, #tpu.memory_space<vmem_shared>>) dst(%arg16 : memref<128x128xf32, #tpu.memory_space<vmem>>)
      %parallel_loop3A_353 = arith.constant 0 : i32
      %parallel_loop3A_354 = arith.constant 128 : i32
      %parallel_loop3A_355 = arith.constant 1 : i32
      scf.for %parallel_loop3A_376 = %parallel_loop3A_353 to %parallel_loop3A_354 step %parallel_loop3A_355  : i32 {
        %parallel_loop3A_377 = arith.index_cast %parallel_loop3A_376 : i32 to index
        %parallel_loop3A_378 = arith.constant 0 : index
        %parallel_loop3A_379 = tpu.vector_load %arg16[%parallel_loop3A_377, %parallel_loop3A_378] {strides = array<i32>} : memref<128x128xf32, #tpu.memory_space<vmem>>, vector<1x16xf32>,
        %parallel_loop3A_380 = vector.shape_cast %parallel_loop3A_379 : vector<1x16xf32> to vector<16xf32>
        %parallel_loop3A_381 = arith.index_cast %parallel_loop3A_376 : i32 to index
        %parallel_loop3A_382 = arith.constant 0 : index
        %parallel_loop3A_383 = tpu.vector_load %arg13[%parallel_loop3A_381, %parallel_loop3A_382] {strides = array<i32>} : memref<128x128xf32, #tpu.memory_space<vmem>>, vector<1x16xf32>,
        %parallel_loop3A_384 = vector.shape_cast %parallel_loop3A_383 : vector<1x16xf32> to vector<16xf32>
        %parallel_loop3A_385 = vector.shape_cast %parallel_loop3A_380 : vector<16xf32> to vector<1x16xf32>
        tpu.vector_store %arg13[%parallel_loop3A_381, %parallel_loop3A_382], %parallel_loop3A_385 {add = true, strides = array<i32>} : memref<128x128xf32, #tpu.memory_space<vmem>>, vector<1x16xf32>,
        %parallel_loop3A_386 = arith.index_cast %parallel_loop3A_376 : i32 to index
        %parallel_loop3A_387 = arith.constant 16 : index
        %parallel_loop3A_388 = tpu.vector_load %arg16[%parallel_loop3A_386, %parallel_loop3A_387] {strides = array<i32>} : memref<128x128xf32, #tpu.memory_space<vmem>>, vector<1x16xf32>,
        %parallel_loop3A_389 = vector.shape_cast %parallel_loop3A_388 : vector<1x16xf32> to vector<16xf32>
        %parallel_loop3A_390 = arith.index_cast %parallel_loop3A_376 : i32 to index
        %parallel_loop3A_391 = arith.constant 16 : index
        %parallel_loop3A_392 = tpu.vector_load %arg13[%parallel_loop3A_390, %parallel_loop3A_391] {strides = array<i32>} : memref<128x128xf32, #tpu.memory_space<vmem>>, vector<1x16xf32>,
        %parallel_loop3A_393 = vector.shape_cast %parallel_loop3A_392 : vector<1x16xf32> to vector<16xf32>
        %parallel_loop3A_394 = vector.shape_cast %parallel_loop3A_389 : vector<16xf32> to vector<1x16xf32>
        tpu.vector_store %arg13[%parallel_loop3A_390, %parallel_loop3A_391], %parallel_loop3A_394 {add = true, strides = array<i32>} : memref<128x128xf32, #tpu.memory_space<vmem>>, vector<1x16xf32>,
        %parallel_loop3A_395 = arith.index_cast %parallel_loop3A_376 : i32 to index
        %parallel_loop3A_396 = arith.constant 32 : index
        %parallel_loop3A_397 = tpu.vector_load %arg16[%parallel_loop3A_395, %parallel_loop3A_396] {strides = array<i32>} : memref<128x128xf32, #tpu.memory_space<vmem>>, vector<1x16xf32>,
        %parallel_loop3A_398 = vector.shape_cast %parallel_loop3A_397 : vector<1x16xf32> to vector<16xf32>
        %parallel_loop3A_399 = arith.index_cast %parallel_loop3A_376 : i32 to index
        %parallel_loop3A_400 = arith.constant 32 : index
        %parallel_loop3A_401 = tpu.vector_load %arg13[%parallel_loop3A_399, %parallel_loop3A_400] {strides = array<i32>} : memref<128x128xf32, #tpu.memory_space<vmem>>, vector<1x16xf32>,
        %parallel_loop3A_402 = vector.shape_cast %parallel_loop3A_401 : vector<1x16xf32> to vector<16xf32>
        %parallel_loop3A_403 = vector.shape_cast %parallel_loop3A_398 : vector<16xf32> to vector<1x16xf32>
        tpu.vector_store %arg13[%parallel_loop3A_399, %parallel_loop3A_400], %parallel_loop3A_403 {add = true, strides = array<i32>} : memref<128x128xf32, #tpu.memory_space<vmem>>, vector<1x16xf32>,
        %parallel_loop3A_404 = arith.index_cast %parallel_loop3A_376 : i32 to index
        %parallel_loop3A_405 = arith.constant 48 : index
        %parallel_loop3A_406 = tpu.vector_load %arg16[%parallel_loop3A_404, %parallel_loop3A_405] {strides = array<i32>} : memref<128x128xf32, #tpu.memory_space<vmem>>, vector<1x16xf32>,
        %parallel_loop3A_407 = vector.shape_cast %parallel_loop3A_406 : vector<1x16xf32> to vector<16xf32>
        %parallel_loop3A_408 = arith.index_cast %parallel_loop3A_376 : i32 to index
        %parallel_loop3A_409 = arith.constant 48 : index
        %parallel_loop3A_410 = tpu.vector_load %arg13[%parallel_loop3A_408, %parallel_loop3A_409] {strides = array<i32>} : memref<128x128xf32, #tpu.memory_space<vmem>>, vector<1x16xf32>,
        %parallel_loop3A_411 = vector.shape_cast %parallel_loop3A_410 : vector<1x16xf32> to vector<16xf32>
        %parallel_loop3A_412 = vector.shape_cast %parallel_loop3A_407 : vector<16xf32> to vector<1x16xf32>
        tpu.vector_store %arg13[%parallel_loop3A_408, %parallel_loop3A_409], %parallel_loop3A_412 {add = true, strides = array<i32>} : memref<128x128xf32, #tpu.memory_space<vmem>>, vector<1x16xf32>,
        %parallel_loop3A_413 = arith.index_cast %parallel_loop3A_376 : i32 to index
        %parallel_loop3A_414 = arith.constant 64 : index
        %parallel_loop3A_415 = tpu.vector_load %arg16[%parallel_loop3A_413, %parallel_loop3A_414] {strides = array<i32>} : memref<128x128xf32, #tpu.memory_space<vmem>>, vector<1x16xf32>,
        %parallel_loop3A_416 = vector.shape_cast %parallel_loop3A_415 : vector<1x16xf32> to vector<16xf32>
        %parallel_loop3A_417 = arith.index_cast %parallel_loop3A_376 : i32 to index
        %parallel_loop3A_418 = arith.constant 64 : index
        %parallel_loop3A_419 = tpu.vector_load %arg13[%parallel_loop3A_417, %parallel_loop3A_418] {strides = array<i32>} : memref<128x128xf32, #tpu.memory_space<vmem>>, vector<1x16xf32>,
        %parallel_loop3A_420 = vector.shape_cast %parallel_loop3A_419 : vector<1x16xf32> to vector<16xf32>
        %parallel_loop3A_421 = vector.shape_cast %parallel_loop3A_416 : vector<16xf32> to vector<1x16xf32>
        tpu.vector_store %arg13[%parallel_loop3A_417, %parallel_loop3A_418], %parallel_loop3A_421 {add = true, strides = array<i32>} : memref<128x128xf32, #tpu.memory_space<vmem>>, vector<1x16xf32>,
        %parallel_loop3A_422 = arith.index_cast %parallel_loop3A_376 : i32 to index
        %parallel_loop3A_423 = arith.constant 80 : index
        %parallel_loop3A_424 = tpu.vector_load %arg16[%parallel_loop3A_422, %parallel_loop3A_423] {strides = array<i32>} : memref<128x128xf32, #tpu.memory_space<vmem>>, vector<1x16xf32>,
        %parallel_loop3A_425 = vector.shape_cast %parallel_loop3A_424 : vector<1x16xf32> to vector<16xf32>
        %parallel_loop3A_426 = arith.index_cast %parallel_loop3A_376 : i32 to index
        %parallel_loop3A_427 = arith.constant 80 : index
        %parallel_loop3A_428 = tpu.vector_load %arg13[%parallel_loop3A_426, %parallel_loop3A_427] {strides = array<i32>} : memref<128x128xf32, #tpu.memory_space<vmem>>, vector<1x16xf32>,
        %parallel_loop3A_429 = vector.shape_cast %parallel_loop3A_428 : vector<1x16xf32> to vector<16xf32>
        %parallel_loop3A_430 = vector.shape_cast %parallel_loop3A_425 : vector<16xf32> to vector<1x16xf32>
        tpu.vector_store %arg13[%parallel_loop3A_426, %parallel_loop3A_427], %parallel_loop3A_430 {add = true, strides = array<i32>} : memref<128x128xf32, #tpu.memory_space<vmem>>, vector<1x16xf32>,
        %parallel_loop3A_431 = arith.index_cast %parallel_loop3A_376 : i32 to index
        %parallel_loop3A_432 = arith.constant 96 : index
        %parallel_loop3A_433 = tpu.vector_load %arg16[%parallel_loop3A_431, %parallel_loop3A_432] {strides = array<i32>} : memref<128x128xf32, #tpu.memory_space<vmem>>, vector<1x16xf32>,
        %parallel_loop3A_434 = vector.shape_cast %parallel_loop3A_433 : vector<1x16xf32> to vector<16xf32>
        %parallel_loop3A_435 = arith.index_cast %parallel_loop3A_376 : i32 to index
        %parallel_loop3A_436 = arith.constant 96 : index
        %parallel_loop3A_437 = tpu.vector_load %arg13[%parallel_loop3A_435, %parallel_loop3A_436] {strides = array<i32>} : memref<128x128xf32, #tpu.memory_space<vmem>>, vector<1x16xf32>,
        %parallel_loop3A_438 = vector.shape_cast %parallel_loop3A_437 : vector<1x16xf32> to vector<16xf32>
        %parallel_loop3A_439 = vector.shape_cast %parallel_loop3A_434 : vector<16xf32> to vector<1x16xf32>
        tpu.vector_store %arg13[%parallel_loop3A_435, %parallel_loop3A_436], %parallel_loop3A_439 {add = true, strides = array<i32>} : memref<128x128xf32, #tpu.memory_space<vmem>>, vector<1x16xf32>,
        %parallel_loop3A_440 = arith.index_cast %parallel_loop3A_376 : i32 to index
        %parallel_loop3A_441 = arith.constant 112 : index
        %parallel_loop3A_442 = tpu.vector_load %arg16[%parallel_loop3A_440, %parallel_loop3A_441] {strides = array<i32>} : memref<128x128xf32, #tpu.memory_space<vmem>>, vector<1x16xf32>,
        %parallel_loop3A_443 = vector.shape_cast %parallel_loop3A_442 : vector<1x16xf32> to vector<16xf32>
        %parallel_loop3A_444 = arith.index_cast %parallel_loop3A_376 : i32 to index
        %parallel_loop3A_445 = arith.constant 112 : index
        %parallel_loop3A_446 = tpu.vector_load %arg13[%parallel_loop3A_444, %parallel_loop3A_445] {strides = array<i32>} : memref<128x128xf32, #tpu.memory_space<vmem>>, vector<1x16xf32>,
        %parallel_loop3A_447 = vector.shape_cast %parallel_loop3A_446 : vector<1x16xf32> to vector<16xf32>
        %parallel_loop3A_448 = vector.shape_cast %parallel_loop3A_443 : vector<16xf32> to vector<1x16xf32>
        tpu.vector_store %arg13[%parallel_loop3A_444, %parallel_loop3A_445], %parallel_loop3A_448 {add = true, strides = array<i32>} : memref<128x128xf32, #tpu.memory_space<vmem>>, vector<1x16xf32>,
      } {sc.loop_unroll_factor = 4 : i64, sc.parallel_access}
      %mul3A_356 = arith.constant 128 : i32
      %mul3A_357 = arith.muli %add3A_304, %mul3A_356 : i32
      %add3A_358 = arith.addi %add3A, %mul3A_357 : i32
      %add3A_359 = arith.constant 128 : i32
      %add3A_360 = arith.addi %add3A_358, %add3A_359 : i32
      %le3A_361 = arith.constant 100000 : i32
      %le3A_362 = arith.cmpi sle, %add3A_360, %le3A_361 : i32
      %convert_element_type3A_363 = arith.extui %le3A_362 : i1 to i32
      %cond3A_364 = arith.constant 0 : i32
      %cond3A_365 = arith.cmpi ne, %convert_element_type3A_363, %cond3A_364 : i32
      scf.if %cond3A_365 {
        %dma_start3A_376 = arith.constant 0 : i32
        %dma_start3A_377 = tpu.memref_slice %arg6[%add3A_358, %dma_start3A_376] : memref<100000x128xf32, #tpu.memory_space<hbm>> -> memref<128x128xf32, #tpu.memory_space<hbm>>
        %dma_start3A_378 = arith.constant 0 : i32
        %dma_start3A_379 = tpu.memref_slice %arg6[%add3A_358, %dma_start3A_378] : memref<100000x128xf32, #tpu.memory_space<hbm>> -> memref<128x128xf32, #tpu.memory_space<hbm>>
        tpu.enqueue_dma source(%arg13 : memref<128x128xf32, #tpu.memory_space<vmem>>) target(%dma_start3A_379 : memref<128x128xf32, #tpu.memory_space<hbm>>) target_semaphore(%arg25 : memref<!tpu.dma_semaphore, #tpu.memory_space<semaphore_mem>>)
      } else {
      }
      %lt3A_366 = arith.constant 100000 : i32
      %lt3A_367 = arith.cmpi slt, %add3A_358, %lt3A_366 : i32
      %add3A_368 = arith.constant 128 : i32
      %add3A_369 = arith.addi %add3A_358, %add3A_368 : i32
      %gt3A_370 = arith.constant 100000 : i32
      %gt3A_371 = arith.cmpi sgt, %add3A_369, %gt3A_370 : i32
      %and3A_372 = arith.andi %lt3A_367, %gt3A_371 : i1
      %convert_element_type3A_373 = arith.extui %and3A_372 : i1 to i32
      %cond3A_374 = arith.constant 0 : i32
      %cond3A_375 = arith.cmpi ne, %convert_element_type3A_373, %cond3A_374 : i32
      scf.if %cond3A_375 {
        %dma_start3A_376 = arith.constant 0 : i32
        %dma_start3A_377 = arith.constant 0 : i32
        %dma_start3A_378 = tpu.memref_slice %arg13[%dma_start3A_376, %dma_start3A_377] : memref<128x128xf32, #tpu.memory_space<vmem>> -> memref<32x128xf32, #tpu.memory_space<vmem>>
        %dma_start3A_379 = arith.constant 0 : i32
        %dma_start3A_380 = tpu.memref_slice %arg6[%add3A_358, %dma_start3A_379] : memref<100000x128xf32, #tpu.memory_space<hbm>> -> memref<32x128xf32, #tpu.memory_space<hbm>>
        %dma_start3A_381 = arith.constant 0 : i32
        %dma_start3A_382 = tpu.memref_slice %arg6[%add3A_358, %dma_start3A_381] : memref<100000x128xf32, #tpu.memory_space<hbm>> -> memref<32x128xf32, #tpu.memory_space<hbm>>
        %dma_start3A_383 = arith.constant 0 : i32
        %dma_start3A_384 = arith.constant 0 : i32
        %dma_start3A_385 = tpu.memref_slice %arg13[%dma_start3A_383, %dma_start3A_384] : memref<128x128xf32, #tpu.memory_space<vmem>> -> memref<32x128xf32, #tpu.memory_space<vmem>>
        tpu.enqueue_dma source(%dma_start3A_385 : memref<32x128xf32, #tpu.memory_space<vmem>>) target(%dma_start3A_382 : memref<32x128xf32, #tpu.memory_space<hbm>>) target_semaphore(%arg25 : memref<!tpu.dma_semaphore, #tpu.memory_space<semaphore_mem>>)
      } else {
      }
    }
    %scan3A_57 = arith.constant 8 : i32
    %dma_wait3A_58 = arith.constant 0 : i32
    %dma_wait3A_59 = tpu.memref_slice %arg7[%dma_wait3A_58] : memref<3200xi32, #tpu.memory_space<vmem>> -> memref<128xi32, #tpu.memory_space<vmem>>
    %dma_wait3A_60 = arith.constant 0 : i32
    %dma_wait3A_61 = arith.constant 0 : i32
    %dma_wait3A_62 = tpu.memref_slice %arg9[%dma_wait3A_60, %dma_wait3A_61] : memref<512x128xf32, #tpu.memory_space<vmem_shared>> -> memref<512x128xf32, #tpu.memory_space<vmem_shared>>
    tpu.wait_indirect_dma semaphore(%arg17 : memref<!tpu.dma_semaphore, #tpu.memory_space<semaphore_mem>>) src(%dma_wait3A_62 : memref<512x128xf32, #tpu.memory_space<vmem_shared>>) dst(%arg11 : memref<128x128xf32, #tpu.memory_space<vmem>>)
    %dma_wait3A_63 = arith.constant 0 : i32
    %dma_wait3A_64 = tpu.memref_slice %arg8[%dma_wait3A_63] : memref<3200xi32, #tpu.memory_space<vmem>> -> memref<128xi32, #tpu.memory_space<vmem>>
    %dma_wait3A_65 = arith.constant 0 : i32
    %dma_wait3A_66 = arith.constant 0 : i32
    %dma_wait3A_67 = tpu.memref_slice %arg10[%dma_wait3A_65, %dma_wait3A_66] : memref<512x128xf32, #tpu.memory_space<vmem_shared>> -> memref<512x128xf32, #tpu.memory_space<vmem_shared>>
    tpu.wait_indirect_dma semaphore(%arg20 : memref<!tpu.dma_semaphore, #tpu.memory_space<semaphore_mem>>) src(%dma_wait3A_67 : memref<512x128xf32, #tpu.memory_space<vmem_shared>>) dst(%arg14 : memref<128x128xf32, #tpu.memory_space<vmem>>)
    %parallel_loop3A = arith.constant 0 : i32
    %parallel_loop3A_68 = arith.constant 128 : i32
    %parallel_loop3A_69 = arith.constant 1 : i32
    scf.for %parallel_loop3A_152 = %parallel_loop3A to %parallel_loop3A_68 step %parallel_loop3A_69  : i32 {
      %parallel_loop3A_153 = arith.index_cast %parallel_loop3A_152 : i32 to index
      %parallel_loop3A_154 = arith.constant 0 : index
      %parallel_loop3A_155 = tpu.vector_load %arg14[%parallel_loop3A_153, %parallel_loop3A_154] {strides = array<i32>} : memref<128x128xf32, #tpu.memory_space<vmem>>, vector<1x16xf32>,
      %parallel_loop3A_156 = vector.shape_cast %parallel_loop3A_155 : vector<1x16xf32> to vector<16xf32>
      %parallel_loop3A_157 = arith.index_cast %parallel_loop3A_152 : i32 to index
      %parallel_loop3A_158 = arith.constant 0 : index
      %parallel_loop3A_159 = tpu.vector_load %arg11[%parallel_loop3A_157, %parallel_loop3A_158] {strides = array<i32>} : memref<128x128xf32, #tpu.memory_space<vmem>>, vector<1x16xf32>,
      %parallel_loop3A_160 = vector.shape_cast %parallel_loop3A_159 : vector<1x16xf32> to vector<16xf32>
      %parallel_loop3A_161 = vector.shape_cast %parallel_loop3A_156 : vector<16xf32> to vector<1x16xf32>
      tpu.vector_store %arg11[%parallel_loop3A_157, %parallel_loop3A_158], %parallel_loop3A_161 {add = true, strides = array<i32>} : memref<128x128xf32, #tpu.memory_space<vmem>>, vector<1x16xf32>,
      %parallel_loop3A_162 = arith.index_cast %parallel_loop3A_152 : i32 to index
      %parallel_loop3A_163 = arith.constant 16 : index
      %parallel_loop3A_164 = tpu.vector_load %arg14[%parallel_loop3A_162, %parallel_loop3A_163] {strides = array<i32>} : memref<128x128xf32, #tpu.memory_space<vmem>>, vector<1x16xf32>,
      %parallel_loop3A_165 = vector.shape_cast %parallel_loop3A_164 : vector<1x16xf32> to vector<16xf32>
      %parallel_loop3A_166 = arith.index_cast %parallel_loop3A_152 : i32 to index
      %parallel_loop3A_167 = arith.constant 16 : index
      %parallel_loop3A_168 = tpu.vector_load %arg11[%parallel_loop3A_166, %parallel_loop3A_167] {strides = array<i32>} : memref<128x128xf32, #tpu.memory_space<vmem>>, vector<1x16xf32>,
      %parallel_loop3A_169 = vector.shape_cast %parallel_loop3A_168 : vector<1x16xf32> to vector<16xf32>
      %parallel_loop3A_170 = vector.shape_cast %parallel_loop3A_165 : vector<16xf32> to vector<1x16xf32>
      tpu.vector_store %arg11[%parallel_loop3A_166, %parallel_loop3A_167], %parallel_loop3A_170 {add = true, strides = array<i32>} : memref<128x128xf32, #tpu.memory_space<vmem>>, vector<1x16xf32>,
      %parallel_loop3A_171 = arith.index_cast %parallel_loop3A_152 : i32 to index
      %parallel_loop3A_172 = arith.constant 32 : index
      %parallel_loop3A_173 = tpu.vector_load %arg14[%parallel_loop3A_171, %parallel_loop3A_172] {strides = array<i32>} : memref<128x128xf32, #tpu.memory_space<vmem>>, vector<1x16xf32>,
      %parallel_loop3A_174 = vector.shape_cast %parallel_loop3A_173 : vector<1x16xf32> to vector<16xf32>
      %parallel_loop3A_175 = arith.index_cast %parallel_loop3A_152 : i32 to index
      %parallel_loop3A_176 = arith.constant 32 : index
      %parallel_loop3A_177 = tpu.vector_load %arg11[%parallel_loop3A_175, %parallel_loop3A_176] {strides = array<i32>} : memref<128x128xf32, #tpu.memory_space<vmem>>, vector<1x16xf32>,
      %parallel_loop3A_178 = vector.shape_cast %parallel_loop3A_177 : vector<1x16xf32> to vector<16xf32>
      %parallel_loop3A_179 = vector.shape_cast %parallel_loop3A_174 : vector<16xf32> to vector<1x16xf32>
      tpu.vector_store %arg11[%parallel_loop3A_175, %parallel_loop3A_176], %parallel_loop3A_179 {add = true, strides = array<i32>} : memref<128x128xf32, #tpu.memory_space<vmem>>, vector<1x16xf32>,
      %parallel_loop3A_180 = arith.index_cast %parallel_loop3A_152 : i32 to index
      %parallel_loop3A_181 = arith.constant 48 : index
      %parallel_loop3A_182 = tpu.vector_load %arg14[%parallel_loop3A_180, %parallel_loop3A_181] {strides = array<i32>} : memref<128x128xf32, #tpu.memory_space<vmem>>, vector<1x16xf32>,
      %parallel_loop3A_183 = vector.shape_cast %parallel_loop3A_182 : vector<1x16xf32> to vector<16xf32>
      %parallel_loop3A_184 = arith.index_cast %parallel_loop3A_152 : i32 to index
      %parallel_loop3A_185 = arith.constant 48 : index
      %parallel_loop3A_186 = tpu.vector_load %arg11[%parallel_loop3A_184, %parallel_loop3A_185] {strides = array<i32>} : memref<128x128xf32, #tpu.memory_space<vmem>>, vector<1x16xf32>,
      %parallel_loop3A_187 = vector.shape_cast %parallel_loop3A_186 : vector<1x16xf32> to vector<16xf32>
      %parallel_loop3A_188 = vector.shape_cast %parallel_loop3A_183 : vector<16xf32> to vector<1x16xf32>
      tpu.vector_store %arg11[%parallel_loop3A_184, %parallel_loop3A_185], %parallel_loop3A_188 {add = true, strides = array<i32>} : memref<128x128xf32, #tpu.memory_space<vmem>>, vector<1x16xf32>,
      %parallel_loop3A_189 = arith.index_cast %parallel_loop3A_152 : i32 to index
      %parallel_loop3A_190 = arith.constant 64 : index
      %parallel_loop3A_191 = tpu.vector_load %arg14[%parallel_loop3A_189, %parallel_loop3A_190] {strides = array<i32>} : memref<128x128xf32, #tpu.memory_space<vmem>>, vector<1x16xf32>,
      %parallel_loop3A_192 = vector.shape_cast %parallel_loop3A_191 : vector<1x16xf32> to vector<16xf32>
      %parallel_loop3A_193 = arith.index_cast %parallel_loop3A_152 : i32 to index
      %parallel_loop3A_194 = arith.constant 64 : index
      %parallel_loop3A_195 = tpu.vector_load %arg11[%parallel_loop3A_193, %parallel_loop3A_194] {strides = array<i32>} : memref<128x128xf32, #tpu.memory_space<vmem>>, vector<1x16xf32>,
      %parallel_loop3A_196 = vector.shape_cast %parallel_loop3A_195 : vector<1x16xf32> to vector<16xf32>
      %parallel_loop3A_197 = vector.shape_cast %parallel_loop3A_192 : vector<16xf32> to vector<1x16xf32>
      tpu.vector_store %arg11[%parallel_loop3A_193, %parallel_loop3A_194], %parallel_loop3A_197 {add = true, strides = array<i32>} : memref<128x128xf32, #tpu.memory_space<vmem>>, vector<1x16xf32>,
      %parallel_loop3A_198 = arith.index_cast %parallel_loop3A_152 : i32 to index
      %parallel_loop3A_199 = arith.constant 80 : index
      %parallel_loop3A_200 = tpu.vector_load %arg14[%parallel_loop3A_198, %parallel_loop3A_199] {strides = array<i32>} : memref<128x128xf32, #tpu.memory_space<vmem>>, vector<1x16xf32>,
      %parallel_loop3A_201 = vector.shape_cast %parallel_loop3A_200 : vector<1x16xf32> to vector<16xf32>
      %parallel_loop3A_202 = arith.index_cast %parallel_loop3A_152 : i32 to index
      %parallel_loop3A_203 = arith.constant 80 : index
      %parallel_loop3A_204 = tpu.vector_load %arg11[%parallel_loop3A_202, %parallel_loop3A_203] {strides = array<i32>} : memref<128x128xf32, #tpu.memory_space<vmem>>, vector<1x16xf32>,
      %parallel_loop3A_205 = vector.shape_cast %parallel_loop3A_204 : vector<1x16xf32> to vector<16xf32>
      %parallel_loop3A_206 = vector.shape_cast %parallel_loop3A_201 : vector<16xf32> to vector<1x16xf32>
      tpu.vector_store %arg11[%parallel_loop3A_202, %parallel_loop3A_203], %parallel_loop3A_206 {add = true, strides = array<i32>} : memref<128x128xf32, #tpu.memory_space<vmem>>, vector<1x16xf32>,
      %parallel_loop3A_207 = arith.index_cast %parallel_loop3A_152 : i32 to index
      %parallel_loop3A_208 = arith.constant 96 : index
      %parallel_loop3A_209 = tpu.vector_load %arg14[%parallel_loop3A_207, %parallel_loop3A_208] {strides = array<i32>} : memref<128x128xf32, #tpu.memory_space<vmem>>, vector<1x16xf32>,
      %parallel_loop3A_210 = vector.shape_cast %parallel_loop3A_209 : vector<1x16xf32> to vector<16xf32>
      %parallel_loop3A_211 = arith.index_cast %parallel_loop3A_152 : i32 to index
      %parallel_loop3A_212 = arith.constant 96 : index
      %parallel_loop3A_213 = tpu.vector_load %arg11[%parallel_loop3A_211, %parallel_loop3A_212] {strides = array<i32>} : memref<128x128xf32, #tpu.memory_space<vmem>>, vector<1x16xf32>,
      %parallel_loop3A_214 = vector.shape_cast %parallel_loop3A_213 : vector<1x16xf32> to vector<16xf32>
      %parallel_loop3A_215 = vector.shape_cast %parallel_loop3A_210 : vector<16xf32> to vector<1x16xf32>
      tpu.vector_store %arg11[%parallel_loop3A_211, %parallel_loop3A_212], %parallel_loop3A_215 {add = true, strides = array<i32>} : memref<128x128xf32, #tpu.memory_space<vmem>>, vector<1x16xf32>,
      %parallel_loop3A_216 = arith.index_cast %parallel_loop3A_152 : i32 to index
      %parallel_loop3A_217 = arith.constant 112 : index
      %parallel_loop3A_218 = tpu.vector_load %arg14[%parallel_loop3A_216, %parallel_loop3A_217] {strides = array<i32>} : memref<128x128xf32, #tpu.memory_space<vmem>>, vector<1x16xf32>,
      %parallel_loop3A_219 = vector.shape_cast %parallel_loop3A_218 : vector<1x16xf32> to vector<16xf32>
      %parallel_loop3A_220 = arith.index_cast %parallel_loop3A_152 : i32 to index
      %parallel_loop3A_221 = arith.constant 112 : index
      %parallel_loop3A_222 = tpu.vector_load %arg11[%parallel_loop3A_220, %parallel_loop3A_221] {strides = array<i32>} : memref<128x128xf32, #tpu.memory_space<vmem>>, vector<1x16xf32>,
      %parallel_loop3A_223 = vector.shape_cast %parallel_loop3A_222 : vector<1x16xf32> to vector<16xf32>
      %parallel_loop3A_224 = vector.shape_cast %parallel_loop3A_219 : vector<16xf32> to vector<1x16xf32>
      tpu.vector_store %arg11[%parallel_loop3A_220, %parallel_loop3A_221], %parallel_loop3A_224 {add = true, strides = array<i32>} : memref<128x128xf32, #tpu.memory_space<vmem>>, vector<1x16xf32>,
    } {sc.loop_unroll_factor = 4 : i64, sc.parallel_access}
    %add3A_70 = arith.constant 3072 : i32
    %add3A_71 = arith.addi %add3A, %add3A_70 : i32
    %add3A_72 = arith.constant 128 : i32
    %add3A_73 = arith.addi %add3A_71, %add3A_72 : i32
    %le3A = arith.constant 100000 : i32
    %le3A_74 = arith.cmpi sle, %add3A_73, %le3A : i32
    %convert_element_type3A = arith.extui %le3A_74 : i1 to i32
    %cond3A = arith.constant 0 : i32
    %cond3A_75 = arith.cmpi ne, %convert_element_type3A, %cond3A : i32
    scf.if %cond3A_75 {
      %dma_start3A_152 = arith.constant 0 : i32
      %dma_start3A_153 = tpu.memref_slice %arg6[%add3A_71, %dma_start3A_152] : memref<100000x128xf32, #tpu.memory_space<hbm>> -> memref<128x128xf32, #tpu.memory_space<hbm>>
      %dma_start3A_154 = arith.constant 0 : i32
      %dma_start3A_155 = tpu.memref_slice %arg6[%add3A_71, %dma_start3A_154] : memref<100000x128xf32, #tpu.memory_space<hbm>> -> memref<128x128xf32, #tpu.memory_space<hbm>>
      tpu.enqueue_dma source(%arg11 : memref<128x128xf32, #tpu.memory_space<vmem>>) target(%dma_start3A_155 : memref<128x128xf32, #tpu.memory_space<hbm>>) target_semaphore(%arg23 : memref<!tpu.dma_semaphore, #tpu.memory_space<semaphore_mem>>)
    } else {
    }
    %lt3A = arith.constant 100000 : i32
    %lt3A_76 = arith.cmpi slt, %add3A_71, %lt3A : i32
    %add3A_77 = arith.constant 128 : i32
    %add3A_78 = arith.addi %add3A_71, %add3A_77 : i32
    %gt3A = arith.constant 100000 : i32
    %gt3A_79 = arith.cmpi sgt, %add3A_78, %gt3A : i32
    %and3A = arith.andi %lt3A_76, %gt3A_79 : i1
    %convert_element_type3A_80 = arith.extui %and3A : i1 to i32
    %cond3A_81 = arith.constant 0 : i32
    %cond3A_82 = arith.cmpi ne, %convert_element_type3A_80, %cond3A_81 : i32
    scf.if %cond3A_82 {
      %dma_start3A_152 = arith.constant 0 : i32
      %dma_start3A_153 = arith.constant 0 : i32
      %dma_start3A_154 = tpu.memref_slice %arg11[%dma_start3A_152, %dma_start3A_153] : memref<128x128xf32, #tpu.memory_space<vmem>> -> memref<32x128xf32, #tpu.memory_space<vmem>>
      %dma_start3A_155 = arith.constant 0 : i32
      %dma_start3A_156 = tpu.memref_slice %arg6[%add3A_71, %dma_start3A_155] : memref<100000x128xf32, #tpu.memory_space<hbm>> -> memref<32x128xf32, #tpu.memory_space<hbm>>
      %dma_start3A_157 = arith.constant 0 : i32
      %dma_start3A_158 = tpu.memref_slice %arg6[%add3A_71, %dma_start3A_157] : memref<100000x128xf32, #tpu.memory_space<hbm>> -> memref<32x128xf32, #tpu.memory_space<hbm>>
      %dma_start3A_159 = arith.constant 0 : i32
      %dma_start3A_160 = arith.constant 0 : i32
      %dma_start3A_161 = tpu.memref_slice %arg11[%dma_start3A_159, %dma_start3A_160] : memref<128x128xf32, #tpu.memory_space<vmem>> -> memref<32x128xf32, #tpu.memory_space<vmem>>
      tpu.enqueue_dma source(%dma_start3A_161 : memref<32x128xf32, #tpu.memory_space<vmem>>) target(%dma_start3A_158 : memref<32x128xf32, #tpu.memory_space<hbm>>) target_semaphore(%arg23 : memref<!tpu.dma_semaphore, #tpu.memory_space<semaphore_mem>>)
    } else {
    }
    %add3A_83 = arith.constant 2816 : i32
    %add3A_84 = arith.addi %add3A, %add3A_83 : i32
    %add3A_85 = arith.constant 128 : i32
    %add3A_86 = arith.addi %add3A_84, %add3A_85 : i32
    %le3A_87 = arith.constant 100000 : i32
    %le3A_88 = arith.cmpi sle, %add3A_86, %le3A_87 : i32
    %and3A_89 = arith.constant true
    %and3A_90 = arith.andi %and3A_89, %le3A_88 : i1
    %lt3A_91 = arith.constant 100000 : i32
    %lt3A_92 = arith.cmpi slt, %add3A_84, %lt3A_91 : i32
    %add3A_93 = arith.constant 128 : i32
    %add3A_94 = arith.addi %add3A_84, %add3A_93 : i32
    %gt3A_95 = arith.constant 100000 : i32
    %gt3A_96 = arith.cmpi sgt, %add3A_94, %gt3A_95 : i32
    %and3A_97 = arith.andi %lt3A_92, %gt3A_96 : i1
    %and3A_98 = arith.constant true
    %and3A_99 = arith.andi %and3A_98, %and3A_97 : i1
    %convert_element_type3A_100 = arith.extui %and3A_90 : i1 to i32
    %cond3A_101 = arith.constant 0 : i32
    %cond3A_102 = arith.cmpi ne, %convert_element_type3A_100, %cond3A_101 : i32
    scf.if %cond3A_102 {
      %dma_wait3A_152 = arith.constant 0 : i32
      %dma_wait3A_153 = tpu.memref_slice %arg6[%add3A_84, %dma_wait3A_152] : memref<100000x128xf32, #tpu.memory_space<hbm>> -> memref<128x128xf32, #tpu.memory_space<hbm>>
      %dma_wait3A_154 = arith.constant 0 : i32
      %dma_wait3A_155 = tpu.memref_slice %arg6[%add3A_84, %dma_wait3A_154] : memref<100000x128xf32, #tpu.memory_space<hbm>> -> memref<128x128xf32, #tpu.memory_space<hbm>>
      tpu.wait_dma2 semaphore(%arg24 : memref<!tpu.dma_semaphore, #tpu.memory_space<semaphore_mem>>) src(%arg12 : memref<128x128xf32, #tpu.memory_space<vmem>>) dst(%dma_wait3A_155 : memref<128x128xf32, #tpu.memory_space<hbm>>)
    } else {
    }
    %convert_element_type3A_103 = arith.extui %and3A_99 : i1 to i32
    %cond3A_104 = arith.constant 0 : i32
    %cond3A_105 = arith.cmpi ne, %convert_element_type3A_103, %cond3A_104 : i32
    scf.if %cond3A_105 {
      %dma_wait3A_152 = arith.constant 0 : i32
      %dma_wait3A_153 = arith.constant 0 : i32
      %dma_wait3A_154 = tpu.memref_slice %arg12[%dma_wait3A_152, %dma_wait3A_153] : memref<128x128xf32, #tpu.memory_space<vmem>> -> memref<32x128xf32, #tpu.memory_space<vmem>>
      %dma_wait3A_155 = arith.constant 0 : i32
      %dma_wait3A_156 = tpu.memref_slice %arg6[%add3A_84, %dma_wait3A_155] : memref<100000x128xf32, #tpu.memory_space<hbm>> -> memref<32x128xf32, #tpu.memory_space<hbm>>
      %dma_wait3A_157 = arith.constant 0 : i32
      %dma_wait3A_158 = tpu.memref_slice %arg6[%add3A_84, %dma_wait3A_157] : memref<100000x128xf32, #tpu.memory_space<hbm>> -> memref<32x128xf32, #tpu.memory_space<hbm>>
      %dma_wait3A_159 = arith.constant 0 : i32
      %dma_wait3A_160 = arith.constant 0 : i32
      %dma_wait3A_161 = tpu.memref_slice %arg12[%dma_wait3A_159, %dma_wait3A_160] : memref<128x128xf32, #tpu.memory_space<vmem>> -> memref<32x128xf32, #tpu.memory_space<vmem>>
      tpu.wait_dma2 semaphore(%arg24 : memref<!tpu.dma_semaphore, #tpu.memory_space<semaphore_mem>>) src(%dma_wait3A_161 : memref<32x128xf32, #tpu.memory_space<vmem>>) dst(%dma_wait3A_158 : memref<32x128xf32, #tpu.memory_space<hbm>>)
    } else {
    }
    %add3A_106 = arith.constant 2944 : i32
    %add3A_107 = arith.addi %add3A, %add3A_106 : i32
    %add3A_108 = arith.constant 128 : i32
    %add3A_109 = arith.addi %add3A_107, %add3A_108 : i32
    %le3A_110 = arith.constant 100000 : i32
    %le3A_111 = arith.cmpi sle, %add3A_109, %le3A_110 : i32
    %and3A_112 = arith.constant true
    %and3A_113 = arith.andi %and3A_112, %le3A_111 : i1
    %lt3A_114 = arith.constant 100000 : i32
    %lt3A_115 = arith.cmpi slt, %add3A_107, %lt3A_114 : i32
    %add3A_116 = arith.constant 128 : i32
    %add3A_117 = arith.addi %add3A_107, %add3A_116 : i32
    %gt3A_118 = arith.constant 100000 : i32
    %gt3A_119 = arith.cmpi sgt, %add3A_117, %gt3A_118 : i32
    %and3A_120 = arith.andi %lt3A_115, %gt3A_119 : i1
    %and3A_121 = arith.constant true
    %and3A_122 = arith.andi %and3A_121, %and3A_120 : i1
    %convert_element_type3A_123 = arith.extui %and3A_113 : i1 to i32
    %cond3A_124 = arith.constant 0 : i32
    %cond3A_125 = arith.cmpi ne, %convert_element_type3A_123, %cond3A_124 : i32
    scf.if %cond3A_125 {
      %dma_wait3A_152 = arith.constant 0 : i32
      %dma_wait3A_153 = tpu.memref_slice %arg6[%add3A_107, %dma_wait3A_152] : memref<100000x128xf32, #tpu.memory_space<hbm>> -> memref<128x128xf32, #tpu.memory_space<hbm>>
      %dma_wait3A_154 = arith.constant 0 : i32
      %dma_wait3A_155 = tpu.memref_slice %arg6[%add3A_107, %dma_wait3A_154] : memref<100000x128xf32, #tpu.memory_space<hbm>> -> memref<128x128xf32, #tpu.memory_space<hbm>>
      tpu.wait_dma2 semaphore(%arg25 : memref<!tpu.dma_semaphore, #tpu.memory_space<semaphore_mem>>) src(%arg13 : memref<128x128xf32, #tpu.memory_space<vmem>>) dst(%dma_wait3A_155 : memref<128x128xf32, #tpu.memory_space<hbm>>)
    } else {
    }
    %convert_element_type3A_126 = arith.extui %and3A_122 : i1 to i32
    %cond3A_127 = arith.constant 0 : i32
    %cond3A_128 = arith.cmpi ne, %convert_element_type3A_126, %cond3A_127 : i32
    scf.if %cond3A_128 {
      %dma_wait3A_152 = arith.constant 0 : i32
      %dma_wait3A_153 = arith.constant 0 : i32
      %dma_wait3A_154 = tpu.memref_slice %arg13[%dma_wait3A_152, %dma_wait3A_153] : memref<128x128xf32, #tpu.memory_space<vmem>> -> memref<32x128xf32, #tpu.memory_space<vmem>>
      %dma_wait3A_155 = arith.constant 0 : i32
      %dma_wait3A_156 = tpu.memref_slice %arg6[%add3A_107, %dma_wait3A_155] : memref<100000x128xf32, #tpu.memory_space<hbm>> -> memref<32x128xf32, #tpu.memory_space<hbm>>
      %dma_wait3A_157 = arith.constant 0 : i32
      %dma_wait3A_158 = tpu.memref_slice %arg6[%add3A_107, %dma_wait3A_157] : memref<100000x128xf32, #tpu.memory_space<hbm>> -> memref<32x128xf32, #tpu.memory_space<hbm>>
      %dma_wait3A_159 = arith.constant 0 : i32
      %dma_wait3A_160 = arith.constant 0 : i32
      %dma_wait3A_161 = tpu.memref_slice %arg13[%dma_wait3A_159, %dma_wait3A_160] : memref<128x128xf32, #tpu.memory_space<vmem>> -> memref<32x128xf32, #tpu.memory_space<vmem>>
      tpu.wait_dma2 semaphore(%arg25 : memref<!tpu.dma_semaphore, #tpu.memory_space<semaphore_mem>>) src(%dma_wait3A_161 : memref<32x128xf32, #tpu.memory_space<vmem>>) dst(%dma_wait3A_158 : memref<32x128xf32, #tpu.memory_space<hbm>>)
    } else {
    }
    %add3A_129 = arith.constant 3072 : i32
    %add3A_130 = arith.addi %add3A, %add3A_129 : i32
    %add3A_131 = arith.constant 128 : i32
    %add3A_132 = arith.addi %add3A_130, %add3A_131 : i32
    %le3A_133 = arith.constant 100000 : i32
    %le3A_134 = arith.cmpi sle, %add3A_132, %le3A_133 : i32
    %and3A_135 = arith.constant true
    %and3A_136 = arith.andi %and3A_135, %le3A_134 : i1
    %lt3A_137 = arith.constant 100000 : i32
    %lt3A_138 = arith.cmpi slt, %add3A_130, %lt3A_137 : i32
    %add3A_139 = arith.constant 128 : i32
    %add3A_140 = arith.addi %add3A_130, %add3A_139 : i32
    %gt3A_141 = arith.constant 100000 : i32
    %gt3A_142 = arith.cmpi sgt, %add3A_140, %gt3A_141 : i32
    %and3A_143 = arith.andi %lt3A_138, %gt3A_142 : i1
    %and3A_144 = arith.constant true
    %and3A_145 = arith.andi %and3A_144, %and3A_143 : i1
    %convert_element_type3A_146 = arith.extui %and3A_136 : i1 to i32
    %cond3A_147 = arith.constant 0 : i32
    %cond3A_148 = arith.cmpi ne, %convert_element_type3A_146, %cond3A_147 : i32
    scf.if %cond3A_148 {
      %dma_wait3A_152 = arith.constant 0 : i32
      %dma_wait3A_153 = tpu.memref_slice %arg6[%add3A_130, %dma_wait3A_152] : memref<100000x128xf32, #tpu.memory_space<hbm>> -> memref<128x128xf32, #tpu.memory_space<hbm>>
      %dma_wait3A_154 = arith.constant 0 : i32
      %dma_wait3A_155 = tpu.memref_slice %arg6[%add3A_130, %dma_wait3A_154] : memref<100000x128xf32, #tpu.memory_space<hbm>> -> memref<128x128xf32, #tpu.memory_space<hbm>>
      tpu.wait_dma2 semaphore(%arg23 : memref<!tpu.dma_semaphore, #tpu.memory_space<semaphore_mem>>) src(%arg11 : memref<128x128xf32, #tpu.memory_space<vmem>>) dst(%dma_wait3A_155 : memref<128x128xf32, #tpu.memory_space<hbm>>)
    } else {
    }
    %convert_element_type3A_149 = arith.extui %and3A_145 : i1 to i32
    %cond3A_150 = arith.constant 0 : i32
    %cond3A_151 = arith.cmpi ne, %convert_element_type3A_149, %cond3A_150 : i32
    scf.if %cond3A_151 {
      %dma_wait3A_152 = arith.constant 0 : i32
      %dma_wait3A_153 = arith.constant 0 : i32
      %dma_wait3A_154 = tpu.memref_slice %arg11[%dma_wait3A_152, %dma_wait3A_153] : memref<128x128xf32, #tpu.memory_space<vmem>> -> memref<32x128xf32, #tpu.memory_space<vmem>>
      %dma_wait3A_155 = arith.constant 0 : i32
      %dma_wait3A_156 = tpu.memref_slice %arg6[%add3A_130, %dma_wait3A_155] : memref<100000x128xf32, #tpu.memory_space<hbm>> -> memref<32x128xf32, #tpu.memory_space<hbm>>
      %dma_wait3A_157 = arith.constant 0 : i32
      %dma_wait3A_158 = tpu.memref_slice %arg6[%add3A_130, %dma_wait3A_157] : memref<100000x128xf32, #tpu.memory_space<hbm>> -> memref<32x128xf32, #tpu.memory_space<hbm>>
      %dma_wait3A_159 = arith.constant 0 : i32
      %dma_wait3A_160 = arith.constant 0 : i32
      %dma_wait3A_161 = tpu.memref_slice %arg11[%dma_wait3A_159, %dma_wait3A_160] : memref<128x128xf32, #tpu.memory_space<vmem>> -> memref<32x128xf32, #tpu.memory_space<vmem>>
      tpu.wait_dma2 semaphore(%arg23 : memref<!tpu.dma_semaphore, #tpu.memory_space<semaphore_mem>>) src(%dma_wait3A_161 : memref<32x128xf32, #tpu.memory_space<vmem>>) dst(%dma_wait3A_158 : memref<32x128xf32, #tpu.memory_space<hbm>>)
    } else {
    }
    return
  }
}

</mosaic_0001>

<sc_bundles>
// kernel: kernel.3.cloned.1.call-start
scs
__scs_entry_jumppad:
0x0: {  	(pc) =	sbr.rel $0x88, $3  }
0x1: {  	(tag) =	ssettag $0x0;
	lr =	simm.s32 $0x1  }
0x2: {  	[smem:$0x3F9D] =	sst lr;
	_ =	strace $0xD0000000  }
0x3: {  	_ = 	snop  }
0x4: {  	_ = 	snop  }
0x5: {  	_ = 	snop  }
0x6: {  	_ = 	snop  }
0x7: {  	_ = 	snop  }
__scs_overlays_trampoline_lowered:
0x8: {  	[smem:$0x3FAC] =	sst s0  }
0x9: {  	[smem:$0x3FAD] =	sst s1  }
0xa: {  	[smem:$0x3FAE] =	sst s2  }
0xb: {  	[smem:$0x3FAF] =	sst s3  }
0xc: {  	[smem:$0x3FB0] =	sst s4  }
0xd: {  	[smem:$0x3FB1] =	sst s5  }
0xe: {  	[smem:$0x3FB2] =	sst s6  }
0xf: {  	[smem:$0x3FB3] =	sst s7  }
0x10: {  	[smem:$0x3FB4] =	sst s8  }
0x11: {  	[smem:$0x3FB5] =	sst s9;
	s0 =	simm.s32 @!p0 $0x0  }
0x12: {  	s1 =	sld [smem:$0x3F9B];
	s0 =	simm.s32 @p0 $0x1  }
0x13: {  	[smem:$0x3FB6] =	sst s0;
	s0 =	simm.s32 @!p1 $0x0  }
0x14: {  	s2 =	sld [smem:$0x3F9A];
	s0 =	simm.s32 @p1 $0x1  }
0x15: {  	[smem:$0x3FB7] =	sst s0;
	s0 =	simm.s32 @!p2 $0x0  }
0x16: {  	s3 =	sld [smem:$0x3FDB];
	s0 =	simm.s32 @p2 $0x1  }
0x17: {  	s4 =	simm.s32 $0x1BF5;
	[smem:$0x3FB9] =	sst s0  }
0x18: {  	s0 =	sld [smem:$0x3F9C];
	_ =	swait.ge [sflag:s4], $0x0  }
0x19: {  	s7 =	sld [smem:$0x3F9D]  }
0x1a: {  	s8 =	sadd.s32 $0xFFFFE003, lr  }
0x1b: {  	s9 =	sadd.s32 $0xFFFFFEF7, lr;
	s5 =	simm.s32 $0xFFFFFFFF;
	p2 =	slt.u32 s8, $0xFFFFF086  }
0x1c: {  	p1 =	slt.u32 s9, $0xF7A;
	s5 =	simm.s32 @!p2 $0x0  }
0x1d: {  	s5 =	simm.s32 @p1 $0x1;
	p0 =	seq.s32 s7, s2  }
0x1e: {  	s7 =	smul.u32 @!p0 $0xF7A, s2;
	p2 =	seq.s32 @!p0 s5, $0x0  }
0x1f: {  	s9 =	smul.u32 $0xF7A, s1;
	s8 =	simm.s32 @!p0 $0x1BF5;
	p2 =	por !p2, p0  }
0x20: {  	[sflag:s8] =	ssyncset.s32 @!p0 $0xFFFFF086;
	s6 =	sadd.s32 @!p0 s3, s7;
	s7 =	simm.s32 @!p0 $0x108  }
0x21: {  	s3 =	sadd.s32 s3, s9;
	s6 =	sadd.s32 @!p0 $0x88, s6;
	s7 =	simm.s32 @p2 $0x1082  }
0x22: {  	[simem:s7], [sflag:s8] =	dma.local @!p0 [hbm:s6], $0xF7A  }
0x23: {  	s9 =	sor.u32 $0xD0000000, s2;
	s6 =	simm.s32 $0x108;
	_ =	swait.ge @!p0 [sflag:s8], $0x0  }
0x24: {  	s3 =	sadd.s32 $0x88, s3;
	s6 =	simm.s32 @!p1 $0x1082;
	[sflag:s4] =	ssyncset.s32 $0xFFFFF086  }
0x25: {  	[simem:s6], [sflag:s4] =	dma.local [hbm:s3], $0xF7A  }
0x26: {  	[smem:$0x3F9D] =	sst s1;
	(tag) =	ssettag s2;
	_ =	strace s9  }
0x27: {  	s1 =	sld [smem:$0x3FAD]  }
0x28: {  	s2 =	sld [smem:$0x3FAE]  }
0x29: {  	s4 =	sld [smem:$0x3FB0]  }
0x2a: {  	p0 =	seq.s32 s5, $0x0;
	s5 =	sld [smem:$0x3FB1]  }
0x2b: {  	s6 =	sld [smem:$0x3FB2]  }
0x2c: {  	s7 =	sld [smem:$0x3FB3]  }
0x2d: {  	s3 =	simm.s32 $0x108;
	s8 =	sld [smem:$0x3FB4]  }
0x2e: {  	s3 =	simm.s32 @!p0 $0x1082;
	s9 =	sld [smem:$0x3FB5]  }
0x2f: {  	lr =	sadd.s32 s0, s3;
	s0 =	sld [smem:$0x3FAC]  }
0x30: {  	s3 =	sld [smem:$0x3FAF]  }
0x31: {  	[smem:$0x3FB8] =	sst s10  }
0x32: {  	s10 =	sld [smem:$0x3FB6];
	_ =	sdelay $0x3  }
0x33: {  	p0 =	seq.s32 s10, $0x1;
	s10 =	sld [smem:$0x3FB8];
	_ =	sdelay $0x3  }
0x34: {  	[smem:$0x3FB8] =	sst s10  }
0x35: {  	s10 =	sld [smem:$0x3FB7];
	_ =	sdelay $0x3  }
0x36: {  	p1 =	seq.s32 s10, $0x1;
	s10 =	sld [smem:$0x3FB8];
	_ =	sdelay $0x3  }
0x37: {  	[smem:$0x3FB8] =	sst s10  }
0x38: {  	s10 =	sld [smem:$0x3FB9]  }
0x39: {  	_ = 	snop;
	(pc) =	sbr.ind lr, $3  }
0x3a: {  	_ = 	snop  }
0x3b: {  	_ = 	snop  }
0x3c: {  	p2 =	seq.s32 s10, $0x1;
	s10 =	sld [smem:$0x3FB8]  }
0x3d: {  	_ =	shalt  }
0x3e: {  	_ =	shalt  }
0x3f: {  	_ =	shalt  }
0x40: {  	_ =	shalt  }
0x41: {  	_ =	shalt  }
0x42: {  	_ =	shalt  }
0x43: {  	_ =	shalt  }
0x44: {  	_ =	shalt  }
0x45: {  	_ =	shalt  }
0x46: {  	_ =	shalt  }
0x47: {  	_ =	shalt  }
0x48: {  	_ =	shalt  }
0x49: {  	_ =	shalt  }
0x4a: {  	_ =	shalt  }
0x4b: {  	_ =	shalt  }
0x4c: {  	_ =	shalt  }
0x4d: {  	_ =	shalt  }
0x4e: {  	_ =	shalt  }
0x4f: {  	_ =	shalt  }
0x50: {  	_ =	shalt  }
0x51: {  	_ =	shalt  }
0x52: {  	_ =	shalt  }
0x53: {  	_ =	shalt  }
0x54: {  	_ =	shalt  }
0x55: {  	_ =	shalt  }
0x56: {  	_ =	shalt  }
0x57: {  	_ =	shalt  }
0x58: {  	_ =	shalt  }
0x59: {  	_ =	shalt  }
0x5a: {  	_ =	shalt  }
0x5b: {  	_ =	shalt  }
0x5c: {  	_ =	shalt  }
0x5d: {  	_ =	shalt  }
0x5e: {  	_ =	shalt  }
0x5f: {  	_ =	shalt  }
0x60: {  	_ =	shalt  }
0x61: {  	_ =	shalt  }
0x62: {  	_ =	shalt  }
0x63: {  	_ =	shalt  }
0x64: {  	_ =	shalt  }
0x65: {  	_ =	shalt  }
0x66: {  	_ =	shalt  }
0x67: {  	_ =	shalt  }
0x68: {  	_ =	shalt  }
0x69: {  	_ =	shalt  }
0x6a: {  	_ =	shalt  }
0x6b: {  	_ =	shalt  }
0x6c: {  	_ =	shalt  }
0x6d: {  	_ =	shalt  }
0x6e: {  	_ =	shalt  }
0x6f: {  	_ =	shalt  }
0x70: {  	_ =	shalt  }
0x71: {  	_ =	shalt  }
0x72: {  	_ =	shalt  }
0x73: {  	_ =	shalt  }
0x74: {  	_ =	shalt  }
0x75: {  	_ =	shalt  }
0x76: {  	_ =	shalt  }
0x77: {  	_ =	shalt  }
0x78: {  	_ =	shalt  }
0x79: {  	_ =	shalt  }
0x7a: {  	_ =	shalt  }
0x7b: {  	_ =	shalt  }
0x7c: {  	_ =	shalt  }
0x7d: {  	_ =	shalt  }
0x7e: {  	_ =	shalt  }
0x7f: {  	_ =	shalt  }
0x80: {  	_ =	shalt  }
0x81: {  	_ =	shalt  }
0x82: {  	_ =	shalt  }
0x83: {  	_ =	shalt  }
0x84: {  	_ =	shalt  }
0x85: {  	_ =	shalt  }
0x86: {  	_ =	shalt  }
0x87: {  	_ =	shalt  }
.Lfunc_end0:
.L_simem_size_0:
called_computation_lowered:
.L_overlay_start_0:
0x88: {  	s2 =	sld [smem:$0x3FD9]  }
0x89: {  	s3 =	sld [smem:$0x3FFE];
	_ =	sdelay $0x1  }
0x8a: {  	s1 =	srdreg.scid  }
0x8b: {  	s0 =	sand.u32 $0x1, s1  }
0x8c: {  	s17 =	sshll.u32 s0, $0xA;
	s2 =	sadd.s32 s3, s2  }
0x8d: {  	s2 =	sadd.s32 s2, s17  }
0x8e: {  	[smem:$0x3FC4] =	sst s2  }
0x8f: {  	_ = 	snop  }
0x90: {  	s2 =	sld [smem:$0x3FC7]  }
0x91: {  	s18 =	sld [smem:$0x3FC6]  }
0x92: {  	s4 =	sld [smem:$0x3FD0];
	(tm) =	ssettm $0x1  }
0x93: {  	s5 =	sld [smem:$0x3FFB];
	_ =	sdelay $0x3  }
0x94: {  	_ =	strace s5  }
0x95: {  	s5 =	sld [smem:$0x3FFC];
	_ =	sdelay $0x3  }
0x96: {  	_ =	strace s5  }
0x97: {  	s5 =	sld [smem:$0x3FFD];
	_ =	sdelay $0x3  }
0x98: {  	_ =	strace s5  }
0x99: {  	_ =	strace $0x8FFFFFFF  }
0x9a: {  	s19 =	sld [smem:$0x3FDB];
	_ =	sdelay $0x1  }
0x9b: {  	s6 =	simm.s32 $_scs_section_size  }
0x9c: {  	s7 =	simm.s32 $_size__tile_overlayer_lowered;
	s8 =	simm.s32 $_tile_overlayer_lowered  }
0x9d: {  	s22 =	simm.s32 $0x1BFF;
	s21 =	sshll.u32 s8, $0x1;
	s5 =	sadd.s32 s6, s19  }
0x9e: {  	s9 =	simm.s32 $0x0;
	s20 =	sshll.u32 s7, $0x1;
	s7 =	sadd.s32 s21, s5  }
0x9f: {  	[timem:s9], [sflag:s22] =	dma.local [hbm:s7], s20  }
0xa0: {  	_ =	swait.ge [sflag:s22], s20  }
0xa1: {  	s6 =	ssub.s32 $0x0, s20;
	[sflag:s22] =	ssyncset.done $0x0  }
0xa2: {  	[sflag:s22] =	ssyncadd.s32 s6;
	_ =	sdelay $0x1  }
0xa3: {  	s23 =	simm.s32 $0x1B8B  }
0xa4: {  	_ =	swait.ge [sflag:s23], $0x1  }
0xa5: {  	[sflag:s23] =	ssyncset.done $0x0  }
0xa6: {  	s25 =	simm.s32 $0x1B8E;
	s24 =	sld [smem:$0x3FFE];
	[sflag:s23] =	ssyncadd.s32 $0xFFFFFFFF  }
0xa7: {  	s26 =	simm.s32 $execute0_lowered;
	[smem:$0x3FD2] =	sst s25  }
0xa8: {  	s7 =	sshll.u32 s26, $0x1;
	_ =	strace $0x80000046;
	[dreg:$0x1] =	wrdreg $0xFFFFFFFF  }
0xa9: {  	s28 =	simm.s32 $_size_execute0_lowered;
	s5 =	sadd.s32 s5, s7;
	[dreg:$0x0] =	wrdreg $0x0  }
0xaa: {  	s7 =	sshll.u32 s28, $0x1;
	[dreg:$0x2] =	wrdreg s5  }
0xab: {  	[dreg:$0x3] =	wrdreg s7  }
0xac: {  	[dreg:$0x4] =	wrdreg $0xC0  }
0xad: {  	_ =	task [dreg:s9], $0x5FFFF  }
0xae: {  	[dreg:$0x1] =	wrdreg $0xFFFFFFFF  }
0xaf: {  	[dreg:$0x0] =	wrdreg $0x60  }
0xb0: {  	[dreg:$0x2] =	wrdreg s24  }
0xb1: {  	[dreg:$0x3] =	wrdreg s2  }
0xb2: {  	[dreg:$0x4] =	wrdreg s18  }
0xb3: {  	[dreg:$0x5] =	wrdreg s4  }
0xb4: {  	[dreg:$0x6] =	wrdreg $0x19000  }
0xb5: {  	[dreg:$0x7] =	wrdreg $0x29000  }
0xb6: {  	[dreg:$0x8] =	wrdreg $0x9  }
0xb7: {  	_ =	task.clear_ibuf [dreg:s9], $0x9FFFF;
	_ =	strace $0x90000046  }
0xb8: {  	s29 =	simm.s32 $0x9;
	_ =	strace $0x80000048  }
0xb9: {  	_ =	swait.ge [sflag:s29], $0x1  }
0xba: {  	[sflag:s29] =	ssyncadd.s32 $0xFFFFFFFF  }
0xbb: {  	_ =	strace $0x90000048  }
0xbc: {  	_ =	sfence  }
0xbd: {  	s30 =	sld [smem:$0x0];
	_ =	sdelay $0x2  }
0xbe: {  	s31 =	sshll.u32 s1, $0xD;
	s1 =	sshrl.u32 s1, $0x2  }
0xbf: {  	s3 =	sand.u32 $0x4000, s31;
	s1 =	sadd.s32 s1, s30  }
0xc0: {  	s0 =	sor.u32 s3, s0;
	s1 =	sshll.u32 s1, $0x11  }
0xc1: {  	s0 =	sor.u32 s1, s0  }
0xc2: {  	s0 =	sadd.s32 $0x8F2B, s0  }
0xc3: {  	[sflag:s0] =	ssyncadd.remote.s32 $0x1  }
0xc4: {  	_ =	sfence.sel $0xFFFF  }
0xc5: {  	[dreg:$0x0] =	wrdreg $0xFFFFFFFF;
	(pc) =	sbr.abs _section_cstart, $3  }
0xc6: {  	[dreg:$0x1] =	wrdreg $0xFFFFFFFF  }
0xc7: {  	_ =	task.clear_ibuf [dreg:s9], $0x2FFFF;
	_ =	strace $0x9FFFFFFF  }
0xc8: {  	(tm) =	ssettm $0x7FFFFFFF  }
0xc9: {  	_ =	shalt  }
tec
execute0_lowered:
.L_overlay_start_1:
0x0: {  	(tag) =	ssettag $0x1  }
0x1: {  	s0 =	rddreg [dreg:$0x0]  }
0x2: {  	s1 =	rddreg [dreg:$0x1]  }
0x3: {  	s7 =	rddreg [dreg:$0x2]  }
0x4: {  	s3 =	srdreg.scid;
	s2 =	rddreg [dreg:$0x3]  }
0x5: {  	s12 =	stileid.u32;
	s4 =	rddreg [dreg:$0x5];
	s5 =	simm.s32 $0x0  }
0x6: {  	s28 =	simm.s32 $0xB900;
	s29 =	simm.s32 $0x17900;
	s30 =	simm.s32 $0x2  }
0x7: {  	s31 =	simm.s32 $0x5;
	s8 =	sand.u32 $0x1, s3;
	s3 =	rddreg [dreg:$0x4]  }
0x8: {  	s6 =	smul.u32 $0x1900, s12;
	[smem:$0x7FF] =	sst s5;
	s10 =	sshll.u32 s12, $0xC  }
0x9: {  	s11 =	sshll.u32 s12, $0x9;
	s19 =	sshll.u32 s12, $0x6;
	s9 =	smul.u32 $0xC80, s8  }
0xa: {  	s8 =	ssub.s32 $0x2, s8;
	_ =	strace $0x80000047;
	s1 =	sadd.s32 s1, s11  }
0xb: {  	s13 =	sadd.s32 s10, s3;
	s7 =	sadd.s32 s7, s11;
	[dreg:$0x7] =	wrdreg s1  }
0xc: {  	s20 =	sadd.s32 s10, s4;
	[dreg:$0x8] =	wrdreg s7;
	s26 =	sshrl.u32 s13, $0x3  }
0xd: {  	s18 =	sshrl.u32 s8, $0x1;
	s1 =	sshrl.u32 s20, $0x3;
	[dreg:$0xd] =	wrdreg s26  }
0xe: {  	s20 =	simm.s32 $0x80;
	s6 =	sadd.s32 s9, s6;
	[dreg:$0xe] =	wrdreg s1  }
0xf: {  	s26 =	simm.s32 $0x4;
	s1 =	simm.s32 $0x3;
	s9 =	sshrl.u32 s6, $0x3  }
0x10: {  	s21 =	sshll.u32 s6, $0x4;
	s12 =	sadd.s32 $0xFFFFFF00, s6;
	s25 =	sadd.s32 $0xFFFE85DF, s6  }
0x11: {  	s7 =	sadd.s32 $0xFFFE84DF, s6;
	s10 =	sadd.s32 $0xFFFE855F, s6;
	s15 =	ssub.s32 $0x18720, s6  }
0x12: {  	p0 =	slt.u32 s6, $0x17B21;
	s0 =	sadd.s32 s9, s0;
	s9 =	ssub.s32 s8, s18  }
0x13: {  	s8 =	sor.u32 $0x1C0A, s19;
	s23 =	sadd.s32 s2, s21;
	s19 =	simm.s32 $0xA  }
0x14: {  	p1 =	slt.u32 @p0 s6, $0x17AA1;
	s21 =	simm.s32 $0x3900;
	p3 =	sgt.u32 s25, $0x7E  }
0x15: {  	p4 =	sgt.u32 @!p0 s7, $0x7E;
	s22 =	sadd.s32 $0x400, s0;
	s0 =	sadd.s32 $0x3600, s0  }
0x16: {  	p2 =	por p1, !p0;
	[dreg:$0xa] =	wrdreg s0;
	s0 =	simm.s32 @!p3 $0x0  }
0x17: {  	s0 =	simm.s32 @p3 $0x1;
	p3 =	slt.u32 @!p2 s10, $0x7F;
	p2 =	sgt.u32 s6, $0x17A20  }
0x18: {  	s25 =	simm.s32 $0x1;
	[smem:$0x7F8] =	sst s0;
	s0 =	simm.s32 @!p2 $0x0  }
0x19: {  	p3 =	por @p0 !p3, p1;
	p1 =	por !p1, !p0;
	s0 =	simm.s32 @p2 $0x1  }
0x1a: {  	s7 =	simm.s32 $0x9;
	[smem:$0x7F9] =	sst s0;
	s0 =	simm.s32 @!p1 $0x0  }
0x1b: {  	s18 =	simm.s32 $0x0;
	s0 =	simm.s32 @p1 $0x1;
	p1 =	por p3, !p0  }
0x1c: {  	s24 =	sadd.s32 $0xC000, s23;
	[smem:$0x7FA] =	sst s0;
	s0 =	simm.s32 @!p1 $0x0  }
0x1d: {  	s9 =	smax.u32 s9, $0x1;
	[dreg:$0x9] =	wrdreg s22;
	s0 =	simm.s32 @p1 $0x1  }
.Ltmp0:
0x1e: {  	[smem:$0x7FB] =	sst s0;
	s0 =	simm.s32 @!p0 $0x0;
	(pc) =	sbr.rel .LBB2_1-.Ltmp0, $4  }
0x1f: {  	[dreg:$0xb] =	wrdreg s24;
	s0 =	simm.s32 @p0 $0x1;
	p0 =	por p4, p0  }
0x20: {  	s23 =	simm.s32 $0x7900;
	[smem:$0x7FC] =	sst s0;
	s0 =	simm.s32 @!p0 $0x0  }
0x21: {  	[dreg:$0xc] =	wrdreg s9;
	s22 =	simm.s32 $0xF900;
	s0 =	simm.s32 @p0 $0x1  }
0x22: {  	s24 =	simm.s32 $0x13900;
	[smem:$0x7FD] =	sst s0;
	s0 =	simm.s32 $0x6  }
.LBB2_12:
0x23: {  	s9 =	rddreg [dreg:$0xb]  }
0x24: {  	[hbm4b:s9+s5] =	stream.linear.scatter [tilespmem:s21], [sflag:$0x7], $0x4000, $0x38;
	[tilespmem:$0x1B900] =	vst v63  }
.LBB2_15:
0x25: {  	s9 =	simm.s32 $0x8  }
0x26: {  	_ =	swait.ge [sflag:s9], $0x4000  }
0x27: {  	[sflag:s9] =	ssyncset.done $0x0  }
0x28: {  	[sflag:s9] =	ssyncadd.s32 $0xFFFFC000  }
0x29: {  	_ =	swait.ge [sflag:s7], $0x4000  }
0x2a: {  	s17 =	sld [smem:$0x7F9];
	_ =	sdelay $0x2  }
0x2b: {  	[sflag:s7] =	ssyncset.done $0x0;
	p0 =	seq.s32 s17, $0x1  }
0x2c: {  	[sflag:s7] =	ssyncadd.s32 $0xFFFFC000;
	s9 =	simm.s32 @p0 $0x7  }
0x2d: {  	_ =	swait.ge @p0 [sflag:s9], $0x1000  }
0x2e: {  	[sflag:s9] =	ssyncset.done @p0 $0x0  }
0x2f: {  	[sflag:s9] =	ssyncadd.s32 @p0 $0xFFFFF000;
	s9 =	simm.s32 @!p0 $0x7  }
0x30: {  	_ =	swait.ge @!p0 [sflag:s9], $0x4000  }
0x31: {  	[sflag:s9] =	ssyncset.done @!p0 $0x0  }
0x32: {  	[sflag:s9] =	ssyncadd.s32 @!p0 $0xFFFFC000  }
.LBB2_16:
0x33: {  	s18 =	sadd.s32 $0x1, s18;
	s9 =	rddreg [dreg:$0xc]  }
0x34: {  	p0 =	sne.s32 s18, s9  }
.Ltmp1:
0x35: {  	_ = 	snop;
	(pc) =	sbr.rel @!p0 .LBB2_17-.Ltmp1, $1  }
0x36: {  	_ =	sdelay $0x3  }
.LBB2_1:
0x37: {  	s9 =	rddreg [dreg:$0x7]  }
0x38: {  	s10 =	rddreg [dreg:$0xd]  }
0x39: {  	[spmem:s10], [sflag:s8] =	dma.local [hbm:s9], $0x200  }
0x3a: {  	s9 =	rddreg [dreg:$0x8]  }
0x3b: {  	s10 =	rddreg [dreg:$0xe]  }
0x3c: {  	[spmem:s10], [sflag:s8] =	dma.local [hbm:s9], $0x200  }
0x3d: {  	s9 =	rddreg [dreg:$0x9]  }
0x3e: {  	[tilespmem:s5], [sflag:$0xA] =	stream.linear.gather [hbm4b:s9+s5], $0xC80, $0x38;
	[tilespmem:$0x1B900] =	vst v63  }
0x3f: {  	s17 =	simm.s32 $0xC80;
	s16 =	rddreg [dreg:$0xa]  }
0x40: {  	[tilespmem:s17], [sflag:$0xA] =	stream.linear.gather [hbm4b:s16+s5], $0xC80, $0x38;
	[tilespmem:$0x1B900] =	vst v63  }
0x41: {  	_ =	swait.ge [sflag:s19], $0x200  }
0x42: {  	[sflag:s19] =	ssyncset.done $0x0  }
0x43: {  	[sflag:s19] =	ssyncadd.s32 $0xFFFFFE00  }
0x44: {  	_ =	swait.ge [sflag:s19], $0x200  }
0x45: {  	[sflag:s19] =	ssyncset.done $0x0  }
0x46: {  	[sflag:s19] =	ssyncadd.s32 $0xFFFFFE00  }
0x47: {  	_ =	swait.ge [sflag:s19], $0xC80  }
0x48: {  	[sflag:s19] =	ssyncset.done $0x0  }
0x49: {  	[sflag:s19] =	ssyncadd.s32 $0xFFFFF380  }
0x4a: {  	_ =	swait.ge [sflag:s19], $0xC80  }
0x4b: {  	[sflag:s19] =	ssyncset.done $0x0  }
0x4c: {  	[sflag:s19] =	ssyncadd.s32 $0xFFFFF380  }
0x4d: {  	[bflag:$0x0] =	sbarrier.arrive $0xFFFF  }
0x4e: {  	[tilespmem:s21], [sflag:$0x1] =	stream.indirect.gather [spmem:s3], $0x80, s5, s20, $0xb8;
	[tilespmem:$0x1B900] =	vst v63  }
0x4f: {  	s9 =	simm.s32 $0x0  }
0x50: {  	[tilespmem:s22], [sflag:$0x4] =	stream.indirect.gather [spmem:s4], $0x80, s17, s20, $0xb8;
	[tilespmem:$0x1B900] =	vst v63  }
.LBB2_2:
0x51: {  	s10 =	smul.u32 $0x180, s9;
	_ =	sdelay $0x1  }
0x52: {  	p3 =	seq.s32 s9, $0x0;
	p0 =	sne.s32 s9, $0x0;
	s11 =	sadd.s32 s10, s12  }
0x53: {  	s13 =	simm.s32 @!p0 $0x0;
	p1 =	sgt.s32 @!p3 s11, $0x18620  }
0x54: {  	s13 =	simm.s32 @p0 $0x1;
	s11 =	sadd.s32 $0xFFFE79DF, s11;
	p4 =	por p1, p3  }
0x55: {  	[smem:$0x7F7] =	sst s13;
	p5 =	slt.u32 s11, $0x7F;
	s11 =	simm.s32 @!p4 $0x8  }
0x56: {  	p5 =	por !p0, !p5;
	_ =	swait.ge @!p4 [sflag:s11], $0x4000  }
0x57: {  	p5 =	por !p5, !p5;
	[sflag:s11] =	ssyncset.done @!p4 $0x0  }
0x58: {  	[sflag:s11] =	ssyncadd.s32 @!p4 $0xFFFFC000;
	s11 =	simm.s32 @p5 $0x8  }
0x59: {  	_ =	swait.ge @p5 [sflag:s11], $0x1000  }
0x5a: {  	[sflag:s11] =	ssyncset.done @p5 $0x0  }
0x5b: {  	[sflag:s11] =	ssyncadd.s32 @p5 $0xFFFFF000;
	s11 =	sadd.s32 $0x80, s10  }
0x5c: {  	[tilespmem:s23], [sflag:$0x2] =	stream.indirect.gather [spmem:s3], $0x80, s11, s20, $0xb8;
	[tilespmem:$0x1B900] =	vst v63  }
0x5d: {  	s17 =	sadd.s32 $0xD00, s10  }
0x5e: {  	[tilespmem:s24], [sflag:$0x5] =	stream.indirect.gather [spmem:s4], $0x80, s17, s20, $0xb8;
	[tilespmem:$0x1B900] =	vst v63  }
0x5f: {  	_ =	swait.ge [sflag:s25], $0x4000  }
0x60: {  	[sflag:s25] =	ssyncset.done $0x0  }
0x61: {  	[sflag:s25] =	ssyncadd.s32 $0xFFFFC000  }
0x62: {  	_ =	swait.ge [sflag:s26], $0x4000  }
0x63: {  	[sflag:s26] =	ssyncset.done $0x0  }
0x64: {  	s14 =	simm.s32 $0x0;
	[sflag:s26] =	ssyncadd.s32 $0xFFFFC000  }
0x65: {  	v0 =	vld [tilespmem:s14+$0xFAF0]  }
0x66: {  	v1 =	vld [tilespmem:s14+$0xF900]  }
0x67: {  	v2 =	vld [tilespmem:s14+$0xF910]  }
0x68: {  	v3 =	vld [tilespmem:s14+$0xF920]  }
0x69: {  	v4 =	vld [tilespmem:s14+$0xF930]  }
0x6a: {  	v5 =	vld [tilespmem:s14+$0xF940]  }
0x6b: {  	v6 =	vld [tilespmem:s14+$0xF950]  }
0x6c: {  	v7 =	vld [tilespmem:s14+$0xF960]  }
0x6d: {  	v8 =	vld [tilespmem:s14+$0xF970]  }
0x6e: {  	v9 =	vld [tilespmem:s14+$0xF980]  }
0x6f: {  	v10 =	vld [tilespmem:s14+$0xF990]  }
0x70: {  	v11 =	vld [tilespmem:s14+$0xF9A0]  }
0x71: {  	v12 =	vld [tilespmem:s14+$0xF9B0]  }
0x72: {  	v13 =	vld [tilespmem:s14+$0xF9C0]  }
0x73: {  	v14 =	vld [tilespmem:s14+$0xF9D0]  }
0x74: {  	v15 =	vld [tilespmem:s14+$0xF9E0]  }
0x75: {  	v16 =	vld [tilespmem:s14+$0xF9F0]  }
0x76: {  	v17 =	vld [tilespmem:s14+$0xFA00]  }
0x77: {  	v18 =	vld [tilespmem:s14+$0xFA10]  }
0x78: {  	v19 =	vld [tilespmem:s14+$0xFA20]  }
0x79: {  	v20 =	vld [tilespmem:s14+$0xFA30]  }
0x7a: {  	v21 =	vld [tilespmem:s14+$0xFA40]  }
0x7b: {  	v22 =	vld [tilespmem:s14+$0xFA50]  }
0x7c: {  	v23 =	vld [tilespmem:s14+$0xFA60]  }
0x7d: {  	v24 =	vld [tilespmem:s14+$0xFA70]  }
0x7e: {  	v25 =	vld [tilespmem:s14+$0xFA80]  }
0x7f: {  	v26 =	vld [tilespmem:s14+$0xFA90]  }
0x80: {  	v27 =	vld [tilespmem:s14+$0xFAA0]  }
0x81: {  	v28 =	vld [tilespmem:s14+$0xFAB0]  }
0x82: {  	v29 =	vld [tilespmem:s14+$0xFAC0]  }
0x83: {  	v30 =	vld [tilespmem:s14+$0xFAD0]  }
0x84: {  	[tilespmem:s14+$0x3AF0] =	vst.add.f32.msk $0xffff, v0  }
0x85: {  	v0 =	vld [tilespmem:s14+$0xFAE0]  }
0x86: {  	[tilespmem:s14+$0x3900] =	vst.add.f32.msk $0xffff, v1  }
0x87: {  	[tilespmem:s14+$0x3910] =	vst.add.f32.msk $0xffff, v2  }
0x88: {  	[tilespmem:s14+$0x3920] =	vst.add.f32.msk $0xffff, v3  }
0x89: {  	[tilespmem:s14+$0x3930] =	vst.add.f32.msk $0xffff, v4  }
0x8a: {  	[tilespmem:s14+$0x3940] =	vst.add.f32.msk $0xffff, v5  }
0x8b: {  	[tilespmem:s14+$0x3950] =	vst.add.f32.msk $0xffff, v6  }
0x8c: {  	[tilespmem:s14+$0x3960] =	vst.add.f32.msk $0xffff, v7  }
0x8d: {  	[tilespmem:s14+$0x3970] =	vst.add.f32.msk $0xffff, v8  }
0x8e: {  	[tilespmem:s14+$0x3980] =	vst.add.f32.msk $0xffff, v9  }
0x8f: {  	[tilespmem:s14+$0x3990] =	vst.add.f32.msk $0xffff, v10  }
0x90: {  	[tilespmem:s14+$0x39A0] =	vst.add.f32.msk $0xffff, v11  }
0x91: {  	[tilespmem:s14+$0x39B0] =	vst.add.f32.msk $0xffff, v12  }
0x92: {  	[tilespmem:s14+$0x39C0] =	vst.add.f32.msk $0xffff, v13  }
0x93: {  	[tilespmem:s14+$0x39D0] =	vst.add.f32.msk $0xffff, v14  }
0x94: {  	[tilespmem:s14+$0x39E0] =	vst.add.f32.msk $0xffff, v15  }
0x95: {  	[tilespmem:s14+$0x39F0] =	vst.add.f32.msk $0xffff, v16  }
0x96: {  	[tilespmem:s14+$0x3A00] =	vst.add.f32.msk $0xffff, v17  }
0x97: {  	[tilespmem:s14+$0x3A10] =	vst.add.f32.msk $0xffff, v18  }
0x98: {  	[tilespmem:s14+$0x3A20] =	vst.add.f32.msk $0xffff, v19  }
0x99: {  	[tilespmem:s14+$0x3A30] =	vst.add.f32.msk $0xffff, v20  }
0x9a: {  	[tilespmem:s14+$0x3A40] =	vst.add.f32.msk $0xffff, v21  }
0x9b: {  	[tilespmem:s14+$0x3A50] =	vst.add.f32.msk $0xffff, v22  }
0x9c: {  	[tilespmem:s14+$0x3A60] =	vst.add.f32.msk $0xffff, v23  }
0x9d: {  	[tilespmem:s14+$0x3A70] =	vst.add.f32.msk $0xffff, v24  }
0x9e: {  	[tilespmem:s14+$0x3A80] =	vst.add.f32.msk $0xffff, v25  }
0x9f: {  	[tilespmem:s14+$0x3A90] =	vst.add.f32.msk $0xffff, v26  }
0xa0: {  	[tilespmem:s14+$0x3AA0] =	vst.add.f32.msk $0xffff, v27  }
0xa1: {  	[tilespmem:s14+$0x3AB0] =	vst.add.f32.msk $0xffff, v28  }
0xa2: {  	[tilespmem:s14+$0x3AC0] =	vst.add.f32.msk $0xffff, v29  }
0xa3: {  	s16 =	simm.s32 $0x0;
	s17 =	simm.s32 $0x800;
	[tilespmem:s14+$0x3AD0] =	vst.add.f32.msk $0xffff, v30  }
.LBB2_3:
0xa4: {  	s16 =	sadd.s32 $0x4, s16;
	[tilespmem:s14+$0x3AE0] =	vst.add.f32.msk $0xffff, v0;
	s14 =	sshra.s32 s17, $0x2  }
0xa5: {  	v0 =	vld [tilespmem:s14+$0xFAF0];
	p6 =	slt.u32 s16, $0x7C  }
0xa6: {  	v1 =	vld [tilespmem:s14+$0xF900]  }
0xa7: {  	v2 =	vld [tilespmem:s14+$0xF910]  }
0xa8: {  	v3 =	vld [tilespmem:s14+$0xF920]  }
0xa9: {  	v4 =	vld [tilespmem:s14+$0xF930]  }
0xaa: {  	[tilespmem:s14+$0x3AF0] =	vst.add.f32.msk $0xffff, v0  }
0xab: {  	v5 =	vld [tilespmem:s14+$0xF940]  }
0xac: {  	v6 =	vld [tilespmem:s14+$0xF950]  }
0xad: {  	v7 =	vld [tilespmem:s14+$0xF960]  }
0xae: {  	v8 =	vld [tilespmem:s14+$0xF970]  }
0xaf: {  	v9 =	vld [tilespmem:s14+$0xF980]  }
0xb0: {  	v10 =	vld [tilespmem:s14+$0xF990]  }
0xb1: {  	v11 =	vld [tilespmem:s14+$0xF9A0]  }
0xb2: {  	v12 =	vld [tilespmem:s14+$0xF9B0]  }
0xb3: {  	v13 =	vld [tilespmem:s14+$0xF9C0]  }
0xb4: {  	v14 =	vld [tilespmem:s14+$0xF9D0]  }
0xb5: {  	v15 =	vld [tilespmem:s14+$0xF9E0]  }
0xb6: {  	v16 =	vld [tilespmem:s14+$0xF9F0]  }
0xb7: {  	v17 =	vld [tilespmem:s14+$0xFA00]  }
0xb8: {  	v18 =	vld [tilespmem:s14+$0xFA10]  }
0xb9: {  	v19 =	vld [tilespmem:s14+$0xFA20]  }
0xba: {  	v20 =	vld [tilespmem:s14+$0xFA30]  }
0xbb: {  	v21 =	vld [tilespmem:s14+$0xFA40]  }
0xbc: {  	v22 =	vld [tilespmem:s14+$0xFA50]  }
0xbd: {  	v23 =	vld [tilespmem:s14+$0xFA60]  }
0xbe: {  	v24 =	vld [tilespmem:s14+$0xFA70]  }
0xbf: {  	v25 =	vld [tilespmem:s14+$0xFA80]  }
0xc0: {  	v26 =	vld [tilespmem:s14+$0xFA90]  }
0xc1: {  	v27 =	vld [tilespmem:s14+$0xFAA0]  }
0xc2: {  	v28 =	vld [tilespmem:s14+$0xFAB0]  }
0xc3: {  	v29 =	vld [tilespmem:s14+$0xFAC0]  }
0xc4: {  	v30 =	vld [tilespmem:s14+$0xFAD0]  }
0xc5: {  	v0 =	vld [tilespmem:s14+$0xFAE0]  }
0xc6: {  	[tilespmem:s14+$0x3900] =	vst.add.f32.msk $0xffff, v1  }
0xc7: {  	[tilespmem:s14+$0x3910] =	vst.add.f32.msk $0xffff, v2  }
0xc8: {  	[tilespmem:s14+$0x3920] =	vst.add.f32.msk $0xffff, v3  }
0xc9: {  	[tilespmem:s14+$0x3930] =	vst.add.f32.msk $0xffff, v4  }
0xca: {  	[tilespmem:s14+$0x3940] =	vst.add.f32.msk $0xffff, v5  }
0xcb: {  	[tilespmem:s14+$0x3950] =	vst.add.f32.msk $0xffff, v6  }
0xcc: {  	[tilespmem:s14+$0x3960] =	vst.add.f32.msk $0xffff, v7  }
0xcd: {  	[tilespmem:s14+$0x3970] =	vst.add.f32.msk $0xffff, v8  }
0xce: {  	[tilespmem:s14+$0x3980] =	vst.add.f32.msk $0xffff, v9  }
0xcf: {  	[tilespmem:s14+$0x3990] =	vst.add.f32.msk $0xffff, v10  }
0xd0: {  	[tilespmem:s14+$0x39A0] =	vst.add.f32.msk $0xffff, v11  }
0xd1: {  	[tilespmem:s14+$0x39B0] =	vst.add.f32.msk $0xffff, v12  }
0xd2: {  	[tilespmem:s14+$0x39C0] =	vst.add.f32.msk $0xffff, v13  }
0xd3: {  	[tilespmem:s14+$0x39D0] =	vst.add.f32.msk $0xffff, v14  }
0xd4: {  	[tilespmem:s14+$0x39E0] =	vst.add.f32.msk $0xffff, v15  }
0xd5: {  	[tilespmem:s14+$0x39F0] =	vst.add.f32.msk $0xffff, v16  }
0xd6: {  	[tilespmem:s14+$0x3A00] =	vst.add.f32.msk $0xffff, v17  }
0xd7: {  	[tilespmem:s14+$0x3A10] =	vst.add.f32.msk $0xffff, v18  }
0xd8: {  	[tilespmem:s14+$0x3A20] =	vst.add.f32.msk $0xffff, v19  }
0xd9: {  	[tilespmem:s14+$0x3A30] =	vst.add.f32.msk $0xffff, v20  }
0xda: {  	[tilespmem:s14+$0x3A40] =	vst.add.f32.msk $0xffff, v21  }
0xdb: {  	[tilespmem:s14+$0x3A50] =	vst.add.f32.msk $0xffff, v22  }
0xdc: {  	[tilespmem:s14+$0x3A60] =	vst.add.f32.msk $0xffff, v23  }
0xdd: {  	[tilespmem:s14+$0x3A70] =	vst.add.f32.msk $0xffff, v24  }
0xde: {  	[tilespmem:s14+$0x3A80] =	vst.add.f32.msk $0xffff, v25  }
.Ltmp2:
0xdf: {  	[tilespmem:s14+$0x3A90] =	vst.add.f32.msk $0xffff, v26;
	(pc) =	sbr.rel @p6 .LBB2_3-.Ltmp2, $4  }
0xe0: {  	[tilespmem:s14+$0x3AA0] =	vst.add.f32.msk $0xffff, v27  }
0xe1: {  	[tilespmem:s14+$0x3AB0] =	vst.add.f32.msk $0xffff, v28  }
0xe2: {  	[tilespmem:s14+$0x3AC0] =	vst.add.f32.msk $0xffff, v29  }
0xe3: {  	s17 =	sadd.s32 $0x800, s17;
	[tilespmem:s14+$0x3AD0] =	vst.add.f32.msk $0xffff, v30  }
0xe4: {  	s13 =	sadd.s32 s6, s10  }
0xe5: {  	p6 =	sgt.u32 s13, $0x18620  }
0xe6: {  	p4 =	sgt.u32 @p6 s13, $0x1869F  }
0xe7: {  	p2 =	sgt.u32 s13, $0x186A0;
	p5 =	por p4, !p6  }
0xe8: {  	p1 =	sgt.u32 @!p3 s13, $0x186A0;
	s16 =	sshll.u32 @!p5 s13, $0x4;
	s17 =	simm.s32 @!p5 $0x3900  }
0xe9: {  	[tilespmem:s14+$0x3AE0] =	vst.add.f32.msk $0xffff, v0;
	s13 =	sshll.u32 @!p6 s13, $0x4;
	s14 =	sadd.s32 @!p5 s2, s16;
	s16 =	simm.s32 @!p5 $0x0  }
0xea: {  	[hbm4b:s14+s16] =	stream.linear.scatter @!p5 [tilespmem:s17], [sflag:$0x7], $0x1000, $0x38;
	[tilespmem:$0x1B900] =	vst v63  }
0xeb: {  	s13 =	sadd.s32 @!p6 s2, s13;
	s14 =	simm.s32 @!p6 $0x0;
	s16 =	simm.s32 @!p6 $0x3900  }
0xec: {  	[hbm4b:s13+s14] =	stream.linear.scatter @!p6 [tilespmem:s16], [sflag:$0x7], $0x4000, $0x38;
	[tilespmem:$0x1B900] =	vst v63  }
0xed: {  	s16 =	sld [smem:$0x7F7]  }
0xee: {  	p0 =	slt.s32 s10, s15  }
0xef: {  	p0 =	por !p2, !p0;
	p1 =	por p1, p3  }
0xf0: {  	p0 =	por !p0, !p0;
	s13 =	simm.s32 @!p1 $0x9;
	p3 =	seq.s32 s16, $0x1  }
0xf1: {  	_ =	swait.ge @!p1 [sflag:s13], $0x4000;
	p0 =	por !p3, !p0  }
0xf2: {  	[sflag:s13] =	ssyncset.done @!p1 $0x0;
	p0 =	por !p0, !p0  }
0xf3: {  	[sflag:s13] =	ssyncadd.s32 @!p1 $0xFFFFC000;
	s13 =	simm.s32 @p0 $0x9  }
0xf4: {  	_ =	swait.ge @p0 [sflag:s13], $0x1000  }
0xf5: {  	[sflag:s13] =	ssyncset.done @p0 $0x0  }
0xf6: {  	s14 =	sadd.s32 $0x100, s10;
	[sflag:s13] =	ssyncadd.s32 @p0 $0xFFFFF000  }
0xf7: {  	[tilespmem:s28], [sflag:$0x3] =	stream.indirect.gather [spmem:s3], $0x80, s14, s20, $0xb8;
	[tilespmem:$0x1B900] =	vst v63  }
0xf8: {  	s17 =	sadd.s32 $0xD80, s10  }
0xf9: {  	[tilespmem:s29], [sflag:$0x6] =	stream.indirect.gather [spmem:s4], $0x80, s17, s20, $0xb8;
	[tilespmem:$0x1B900] =	vst v63  }
0xfa: {  	_ =	swait.ge [sflag:s30], $0x4000  }
0xfb: {  	[sflag:s30] =	ssyncset.done $0x0  }
0xfc: {  	[sflag:s30] =	ssyncadd.s32 $0xFFFFC000  }
0xfd: {  	_ =	swait.ge [sflag:s31], $0x4000  }
0xfe: {  	[sflag:s31] =	ssyncset.done $0x0  }
0xff: {  	s16 =	simm.s32 $0x0;
	[sflag:s31] =	ssyncadd.s32 $0xFFFFC000  }
0x100: {  	v0 =	vld [tilespmem:s16+$0x13AF0]  }
0x101: {  	v1 =	vld [tilespmem:s16+$0x13900]  }
0x102: {  	v2 =	vld [tilespmem:s16+$0x13910]  }
0x103: {  	v3 =	vld [tilespmem:s16+$0x13920]  }
0x104: {  	v4 =	vld [tilespmem:s16+$0x13930]  }
0x105: {  	v5 =	vld [tilespmem:s16+$0x13940]  }
0x106: {  	v6 =	vld [tilespmem:s16+$0x13950]  }
0x107: {  	v7 =	vld [tilespmem:s16+$0x13960]  }
0x108: {  	v8 =	vld [tilespmem:s16+$0x13970]  }
0x109: {  	v9 =	vld [tilespmem:s16+$0x13980]  }
0x10a: {  	v10 =	vld [tilespmem:s16+$0x13990]  }
0x10b: {  	v11 =	vld [tilespmem:s16+$0x139A0]  }
0x10c: {  	v12 =	vld [tilespmem:s16+$0x139B0]  }
0x10d: {  	v13 =	vld [tilespmem:s16+$0x139C0]  }
0x10e: {  	v14 =	vld [tilespmem:s16+$0x139D0]  }
0x10f: {  	v15 =	vld [tilespmem:s16+$0x139E0]  }
0x110: {  	v16 =	vld [tilespmem:s16+$0x139F0]  }
0x111: {  	v17 =	vld [tilespmem:s16+$0x13A00]  }
0x112: {  	v18 =	vld [tilespmem:s16+$0x13A10]  }
0x113: {  	v19 =	vld [tilespmem:s16+$0x13A20]  }
0x114: {  	v20 =	vld [tilespmem:s16+$0x13A30]  }
0x115: {  	v21 =	vld [tilespmem:s16+$0x13A40]  }
0x116: {  	v22 =	vld [tilespmem:s16+$0x13A50]  }
0x117: {  	v23 =	vld [tilespmem:s16+$0x13A60]  }
0x118: {  	v24 =	vld [tilespmem:s16+$0x13A70]  }
0x119: {  	v25 =	vld [tilespmem:s16+$0x13A80]  }
0x11a: {  	v26 =	vld [tilespmem:s16+$0x13A90]  }
0x11b: {  	v27 =	vld [tilespmem:s16+$0x13AA0]  }
0x11c: {  	v28 =	vld [tilespmem:s16+$0x13AB0]  }
0x11d: {  	v29 =	vld [tilespmem:s16+$0x13AC0]  }
0x11e: {  	v30 =	vld [tilespmem:s16+$0x13AD0]  }
0x11f: {  	[tilespmem:s16+$0x7AF0] =	vst.add.f32.msk $0xffff, v0  }
0x120: {  	v0 =	vld [tilespmem:s16+$0x13AE0]  }
0x121: {  	[tilespmem:s16+$0x7900] =	vst.add.f32.msk $0xffff, v1  }
0x122: {  	[tilespmem:s16+$0x7910] =	vst.add.f32.msk $0xffff, v2  }
0x123: {  	[tilespmem:s16+$0x7920] =	vst.add.f32.msk $0xffff, v3  }
0x124: {  	[tilespmem:s16+$0x7930] =	vst.add.f32.msk $0xffff, v4  }
0x125: {  	[tilespmem:s16+$0x7940] =	vst.add.f32.msk $0xffff, v5  }
0x126: {  	[tilespmem:s16+$0x7950] =	vst.add.f32.msk $0xffff, v6  }
0x127: {  	[tilespmem:s16+$0x7960] =	vst.add.f32.msk $0xffff, v7  }
0x128: {  	[tilespmem:s16+$0x7970] =	vst.add.f32.msk $0xffff, v8  }
0x129: {  	[tilespmem:s16+$0x7980] =	vst.add.f32.msk $0xffff, v9  }
0x12a: {  	[tilespmem:s16+$0x7990] =	vst.add.f32.msk $0xffff, v10  }
0x12b: {  	[tilespmem:s16+$0x79A0] =	vst.add.f32.msk $0xffff, v11  }
0x12c: {  	[tilespmem:s16+$0x79B0] =	vst.add.f32.msk $0xffff, v12  }
0x12d: {  	[tilespmem:s16+$0x79C0] =	vst.add.f32.msk $0xffff, v13  }
0x12e: {  	[tilespmem:s16+$0x79D0] =	vst.add.f32.msk $0xffff, v14  }
0x12f: {  	[tilespmem:s16+$0x79E0] =	vst.add.f32.msk $0xffff, v15  }
0x130: {  	[tilespmem:s16+$0x79F0] =	vst.add.f32.msk $0xffff, v16  }
0x131: {  	[tilespmem:s16+$0x7A00] =	vst.add.f32.msk $0xffff, v17  }
0x132: {  	[tilespmem:s16+$0x7A10] =	vst.add.f32.msk $0xffff, v18  }
0x133: {  	[tilespmem:s16+$0x7A20] =	vst.add.f32.msk $0xffff, v19  }
0x134: {  	[tilespmem:s16+$0x7A30] =	vst.add.f32.msk $0xffff, v20  }
0x135: {  	[tilespmem:s16+$0x7A40] =	vst.add.f32.msk $0xffff, v21  }
0x136: {  	[tilespmem:s16+$0x7A50] =	vst.add.f32.msk $0xffff, v22  }
0x137: {  	[tilespmem:s16+$0x7A60] =	vst.add.f32.msk $0xffff, v23  }
0x138: {  	[tilespmem:s16+$0x7A70] =	vst.add.f32.msk $0xffff, v24  }
0x139: {  	[tilespmem:s16+$0x7A80] =	vst.add.f32.msk $0xffff, v25  }
0x13a: {  	[tilespmem:s16+$0x7A90] =	vst.add.f32.msk $0xffff, v26  }
0x13b: {  	[tilespmem:s16+$0x7AA0] =	vst.add.f32.msk $0xffff, v27  }
0x13c: {  	p2 =	por !p4, !p6;
	p1 =	por @!p5 $0x1, $0x1;
	p0 =	por @p6 $0x0, $0x0;
	[tilespmem:s16+$0x7AB0] =	vst.add.f32.msk $0xffff, v28  }
0x13d: {  	p1 =	por @!p2 p0, p0;
	p0 =	por @!p6 $0x0, $0x0;
	[tilespmem:s16+$0x7AC0] =	vst.add.f32.msk $0xffff, v29  }
0x13e: {  	s13 =	simm.s32 $0x800;
	p1 =	por @!p6 p0, p0;
	s17 =	simm.s32 $0x0;
	[tilespmem:s16+$0x7AD0] =	vst.add.f32.msk $0xffff, v30  }
.LBB2_5:
0x13f: {  	s17 =	sadd.s32 $0x4, s17;
	[tilespmem:s16+$0x7AE0] =	vst.add.f32.msk $0xffff, v0;
	s16 =	sshra.s32 s13, $0x2  }
0x140: {  	v0 =	vld [tilespmem:s16+$0x13AF0];
	p3 =	slt.u32 s17, $0x7C  }
0x141: {  	v1 =	vld [tilespmem:s16+$0x13900]  }
0x142: {  	v2 =	vld [tilespmem:s16+$0x13910]  }
0x143: {  	v3 =	vld [tilespmem:s16+$0x13920]  }
0x144: {  	v4 =	vld [tilespmem:s16+$0x13930]  }
0x145: {  	[tilespmem:s16+$0x7AF0] =	vst.add.f32.msk $0xffff, v0  }
0x146: {  	v5 =	vld [tilespmem:s16+$0x13940]  }
0x147: {  	v6 =	vld [tilespmem:s16+$0x13950]  }
0x148: {  	v7 =	vld [tilespmem:s16+$0x13960]  }
0x149: {  	v8 =	vld [tilespmem:s16+$0x13970]  }
0x14a: {  	v9 =	vld [tilespmem:s16+$0x13980]  }
0x14b: {  	v10 =	vld [tilespmem:s16+$0x13990]  }
0x14c: {  	v11 =	vld [tilespmem:s16+$0x139A0]  }
0x14d: {  	v12 =	vld [tilespmem:s16+$0x139B0]  }
0x14e: {  	v13 =	vld [tilespmem:s16+$0x139C0]  }
0x14f: {  	v14 =	vld [tilespmem:s16+$0x139D0]  }
0x150: {  	v15 =	vld [tilespmem:s16+$0x139E0]  }
0x151: {  	v16 =	vld [tilespmem:s16+$0x139F0]  }
0x152: {  	v17 =	vld [tilespmem:s16+$0x13A00]  }
0x153: {  	v18 =	vld [tilespmem:s16+$0x13A10]  }
0x154: {  	v19 =	vld [tilespmem:s16+$0x13A20]  }
0x155: {  	v20 =	vld [tilespmem:s16+$0x13A30]  }
0x156: {  	v21 =	vld [tilespmem:s16+$0x13A40]  }
0x157: {  	v22 =	vld [tilespmem:s16+$0x13A50]  }
0x158: {  	v23 =	vld [tilespmem:s16+$0x13A60]  }
0x159: {  	v24 =	vld [tilespmem:s16+$0x13A70]  }
0x15a: {  	v25 =	vld [tilespmem:s16+$0x13A80]  }
0x15b: {  	v26 =	vld [tilespmem:s16+$0x13A90]  }
0x15c: {  	v27 =	vld [tilespmem:s16+$0x13AA0]  }
0x15d: {  	v28 =	vld [tilespmem:s16+$0x13AB0]  }
0x15e: {  	v29 =	vld [tilespmem:s16+$0x13AC0]  }
0x15f: {  	v30 =	vld [tilespmem:s16+$0x13AD0]  }
0x160: {  	v0 =	vld [tilespmem:s16+$0x13AE0]  }
0x161: {  	[tilespmem:s16+$0x7900] =	vst.add.f32.msk $0xffff, v1  }
0x162: {  	[tilespmem:s16+$0x7910] =	vst.add.f32.msk $0xffff, v2  }
0x163: {  	[tilespmem:s16+$0x7920] =	vst.add.f32.msk $0xffff, v3  }
0x164: {  	[tilespmem:s16+$0x7930] =	vst.add.f32.msk $0xffff, v4  }
0x165: {  	[tilespmem:s16+$0x7940] =	vst.add.f32.msk $0xffff, v5  }
0x166: {  	[tilespmem:s16+$0x7950] =	vst.add.f32.msk $0xffff, v6  }
0x167: {  	[tilespmem:s16+$0x7960] =	vst.add.f32.msk $0xffff, v7  }
0x168: {  	[tilespmem:s16+$0x7970] =	vst.add.f32.msk $0xffff, v8  }
0x169: {  	[tilespmem:s16+$0x7980] =	vst.add.f32.msk $0xffff, v9  }
0x16a: {  	[tilespmem:s16+$0x7990] =	vst.add.f32.msk $0xffff, v10  }
0x16b: {  	[tilespmem:s16+$0x79A0] =	vst.add.f32.msk $0xffff, v11  }
0x16c: {  	[tilespmem:s16+$0x79B0] =	vst.add.f32.msk $0xffff, v12  }
0x16d: {  	[tilespmem:s16+$0x79C0] =	vst.add.f32.msk $0xffff, v13  }
0x16e: {  	[tilespmem:s16+$0x79D0] =	vst.add.f32.msk $0xffff, v14  }
0x16f: {  	[tilespmem:s16+$0x79E0] =	vst.add.f32.msk $0xffff, v15  }
0x170: {  	[tilespmem:s16+$0x79F0] =	vst.add.f32.msk $0xffff, v16  }
0x171: {  	[tilespmem:s16+$0x7A00] =	vst.add.f32.msk $0xffff, v17  }
0x172: {  	[tilespmem:s16+$0x7A10] =	vst.add.f32.msk $0xffff, v18  }
0x173: {  	[tilespmem:s16+$0x7A20] =	vst.add.f32.msk $0xffff, v19  }
0x174: {  	[tilespmem:s16+$0x7A30] =	vst.add.f32.msk $0xffff, v20  }
0x175: {  	[tilespmem:s16+$0x7A40] =	vst.add.f32.msk $0xffff, v21  }
0x176: {  	[tilespmem:s16+$0x7A50] =	vst.add.f32.msk $0xffff, v22  }
0x177: {  	[tilespmem:s16+$0x7A60] =	vst.add.f32.msk $0xffff, v23  }
0x178: {  	[tilespmem:s16+$0x7A70] =	vst.add.f32.msk $0xffff, v24  }
0x179: {  	[tilespmem:s16+$0x7A80] =	vst.add.f32.msk $0xffff, v25  }
.Ltmp3:
0x17a: {  	[tilespmem:s16+$0x7A90] =	vst.add.f32.msk $0xffff, v26;
	(pc) =	sbr.rel @p3 .LBB2_5-.Ltmp3, $4  }
0x17b: {  	[tilespmem:s16+$0x7AA0] =	vst.add.f32.msk $0xffff, v27  }
0x17c: {  	[tilespmem:s16+$0x7AB0] =	vst.add.f32.msk $0xffff, v28  }
0x17d: {  	[tilespmem:s16+$0x7AC0] =	vst.add.f32.msk $0xffff, v29  }
0x17e: {  	s13 =	sadd.s32 $0x800, s13;
	[tilespmem:s16+$0x7AD0] =	vst.add.f32.msk $0xffff, v30  }
0x17f: {  	s11 =	sadd.s32 s6, s11  }
0x180: {  	p0 =	sgt.u32 s11, $0x18620  }
0x181: {  	p2 =	sgt.u32 @p0 s11, $0x1869F  }
0x182: {  	p2 =	por p2, !p0  }
0x183: {  	[tilespmem:s16+$0x7AE0] =	vst.add.f32.msk $0xffff, v0;
	s13 =	sshll.u32 @!p2 s11, $0x4;
	s16 =	simm.s32 @!p2 $0x0  }
0x184: {  	s17 =	simm.s32 @!p2 $0x7900;
	s11 =	sshll.u32 @!p0 s11, $0x4;
	s13 =	sadd.s32 @!p2 s2, s13  }
0x185: {  	[hbm4b:s13+s16] =	stream.linear.scatter @!p2 [tilespmem:s17], [sflag:$0x8], $0x1000, $0x38;
	[tilespmem:$0x1B900] =	vst v63  }
0x186: {  	s11 =	sadd.s32 @!p0 s2, s11;
	s13 =	simm.s32 @!p0 $0x0;
	s16 =	simm.s32 @!p0 $0x7900  }
0x187: {  	[hbm4b:s11+s13] =	stream.linear.scatter @!p0 [tilespmem:s16], [sflag:$0x8], $0x4000, $0x38;
	[tilespmem:$0x1B900] =	vst v63  }
0x188: {  	s11 =	simm.s32 @!p6 $0x7  }
0x189: {  	_ =	swait.ge @!p6 [sflag:s11], $0x4000  }
0x18a: {  	[sflag:s11] =	ssyncset.done @!p6 $0x0  }
0x18b: {  	[sflag:s11] =	ssyncadd.s32 @!p6 $0xFFFFC000;
	s11 =	simm.s32 @p1 $0x7  }
0x18c: {  	_ =	swait.ge @p1 [sflag:s11], $0x1000  }
0x18d: {  	[sflag:s11] =	ssyncset.done @p1 $0x0  }
0x18e: {  	s16 =	sadd.s32 $0x180, s10;
	[sflag:s11] =	ssyncadd.s32 @p1 $0xFFFFF000  }
0x18f: {  	[tilespmem:s21], [sflag:$0x1] =	stream.indirect.gather [spmem:s3], $0x80, s16, s20, $0xb8;
	[tilespmem:$0x1B900] =	vst v63  }
0x190: {  	s17 =	sadd.s32 $0xE00, s10  }
0x191: {  	[tilespmem:s22], [sflag:$0x4] =	stream.indirect.gather [spmem:s4], $0x80, s17, s20, $0xb8;
	[tilespmem:$0x1B900] =	vst v63  }
0x192: {  	_ =	swait.ge [sflag:s1], $0x4000  }
0x193: {  	[sflag:s1] =	ssyncset.done $0x0  }
0x194: {  	[sflag:s1] =	ssyncadd.s32 $0xFFFFC000  }
0x195: {  	_ =	swait.ge [sflag:s0], $0x4000  }
0x196: {  	[sflag:s0] =	ssyncset.done $0x0  }
0x197: {  	s10 =	simm.s32 $0x0;
	[sflag:s0] =	ssyncadd.s32 $0xFFFFC000  }
0x198: {  	v0 =	vld [tilespmem:s10+$0x17AF0]  }
0x199: {  	v1 =	vld [tilespmem:s10+$0x17900]  }
0x19a: {  	v2 =	vld [tilespmem:s10+$0x17910]  }
0x19b: {  	v3 =	vld [tilespmem:s10+$0x17920]  }
0x19c: {  	v4 =	vld [tilespmem:s10+$0x17930]  }
0x19d: {  	v5 =	vld [tilespmem:s10+$0x17940]  }
0x19e: {  	v6 =	vld [tilespmem:s10+$0x17950]  }
0x19f: {  	v7 =	vld [tilespmem:s10+$0x17960]  }
0x1a0: {  	v8 =	vld [tilespmem:s10+$0x17970]  }
0x1a1: {  	v9 =	vld [tilespmem:s10+$0x17980]  }
0x1a2: {  	v10 =	vld [tilespmem:s10+$0x17990]  }
0x1a3: {  	v11 =	vld [tilespmem:s10+$0x179A0]  }
0x1a4: {  	v12 =	vld [tilespmem:s10+$0x179B0]  }
0x1a5: {  	v13 =	vld [tilespmem:s10+$0x179C0]  }
0x1a6: {  	v14 =	vld [tilespmem:s10+$0x179D0]  }
0x1a7: {  	v15 =	vld [tilespmem:s10+$0x179E0]  }
0x1a8: {  	v16 =	vld [tilespmem:s10+$0x179F0]  }
0x1a9: {  	v17 =	vld [tilespmem:s10+$0x17A00]  }
0x1aa: {  	v18 =	vld [tilespmem:s10+$0x17A10]  }
0x1ab: {  	v19 =	vld [tilespmem:s10+$0x17A20]  }
0x1ac: {  	v20 =	vld [tilespmem:s10+$0x17A30]  }
0x1ad: {  	v21 =	vld [tilespmem:s10+$0x17A40]  }
0x1ae: {  	v22 =	vld [tilespmem:s10+$0x17A50]  }
0x1af: {  	v23 =	vld [tilespmem:s10+$0x17A60]  }
0x1b0: {  	v24 =	vld [tilespmem:s10+$0x17A70]  }
0x1b1: {  	v25 =	vld [tilespmem:s10+$0x17A80]  }
0x1b2: {  	v26 =	vld [tilespmem:s10+$0x17A90]  }
0x1b3: {  	v27 =	vld [tilespmem:s10+$0x17AA0]  }
0x1b4: {  	v28 =	vld [tilespmem:s10+$0x17AB0]  }
0x1b5: {  	v29 =	vld [tilespmem:s10+$0x17AC0]  }
0x1b6: {  	v30 =	vld [tilespmem:s10+$0x17AD0]  }
0x1b7: {  	[tilespmem:s10+$0xBAF0] =	vst.add.f32.msk $0xffff, v0  }
0x1b8: {  	v0 =	vld [tilespmem:s10+$0x17AE0]  }
0x1b9: {  	[tilespmem:s10+$0xB900] =	vst.add.f32.msk $0xffff, v1  }
0x1ba: {  	[tilespmem:s10+$0xB910] =	vst.add.f32.msk $0xffff, v2  }
0x1bb: {  	[tilespmem:s10+$0xB920] =	vst.add.f32.msk $0xffff, v3  }
0x1bc: {  	[tilespmem:s10+$0xB930] =	vst.add.f32.msk $0xffff, v4  }
0x1bd: {  	[tilespmem:s10+$0xB940] =	vst.add.f32.msk $0xffff, v5  }
0x1be: {  	[tilespmem:s10+$0xB950] =	vst.add.f32.msk $0xffff, v6  }
0x1bf: {  	[tilespmem:s10+$0xB960] =	vst.add.f32.msk $0xffff, v7  }
0x1c0: {  	[tilespmem:s10+$0xB970] =	vst.add.f32.msk $0xffff, v8  }
0x1c1: {  	[tilespmem:s10+$0xB980] =	vst.add.f32.msk $0xffff, v9  }
0x1c2: {  	[tilespmem:s10+$0xB990] =	vst.add.f32.msk $0xffff, v10  }
0x1c3: {  	[tilespmem:s10+$0xB9A0] =	vst.add.f32.msk $0xffff, v11  }
0x1c4: {  	[tilespmem:s10+$0xB9B0] =	vst.add.f32.msk $0xffff, v12  }
0x1c5: {  	[tilespmem:s10+$0xB9C0] =	vst.add.f32.msk $0xffff, v13  }
0x1c6: {  	[tilespmem:s10+$0xB9D0] =	vst.add.f32.msk $0xffff, v14  }
0x1c7: {  	[tilespmem:s10+$0xB9E0] =	vst.add.f32.msk $0xffff, v15  }
0x1c8: {  	[tilespmem:s10+$0xB9F0] =	vst.add.f32.msk $0xffff, v16  }
0x1c9: {  	[tilespmem:s10+$0xBA00] =	vst.add.f32.msk $0xffff, v17  }
0x1ca: {  	[tilespmem:s10+$0xBA10] =	vst.add.f32.msk $0xffff, v18  }
0x1cb: {  	[tilespmem:s10+$0xBA20] =	vst.add.f32.msk $0xffff, v19  }
0x1cc: {  	[tilespmem:s10+$0xBA30] =	vst.add.f32.msk $0xffff, v20  }
0x1cd: {  	[tilespmem:s10+$0xBA40] =	vst.add.f32.msk $0xffff, v21  }
0x1ce: {  	[tilespmem:s10+$0xBA50] =	vst.add.f32.msk $0xffff, v22  }
0x1cf: {  	[tilespmem:s10+$0xBA60] =	vst.add.f32.msk $0xffff, v23  }
0x1d0: {  	[tilespmem:s10+$0xBA70] =	vst.add.f32.msk $0xffff, v24  }
0x1d1: {  	[tilespmem:s10+$0xBA80] =	vst.add.f32.msk $0xffff, v25  }
0x1d2: {  	[tilespmem:s10+$0xBA90] =	vst.add.f32.msk $0xffff, v26  }
0x1d3: {  	[tilespmem:s10+$0xBAA0] =	vst.add.f32.msk $0xffff, v27  }
0x1d4: {  	[tilespmem:s10+$0xBAB0] =	vst.add.f32.msk $0xffff, v28  }
0x1d5: {  	[tilespmem:s10+$0xBAC0] =	vst.add.f32.msk $0xffff, v29  }
0x1d6: {  	s13 =	simm.s32 $0x800;
	s11 =	simm.s32 $0x0;
	[tilespmem:s10+$0xBAD0] =	vst.add.f32.msk $0xffff, v30  }
.LBB2_7:
0x1d7: {  	s11 =	sadd.s32 $0x4, s11;
	[tilespmem:s10+$0xBAE0] =	vst.add.f32.msk $0xffff, v0;
	s10 =	sshra.s32 s13, $0x2  }
0x1d8: {  	v0 =	vld [tilespmem:s10+$0x17AF0];
	p1 =	slt.u32 s11, $0x7C  }
0x1d9: {  	v1 =	vld [tilespmem:s10+$0x17900]  }
0x1da: {  	v2 =	vld [tilespmem:s10+$0x17910]  }
0x1db: {  	v3 =	vld [tilespmem:s10+$0x17920]  }
0x1dc: {  	v4 =	vld [tilespmem:s10+$0x17930]  }
0x1dd: {  	[tilespmem:s10+$0xBAF0] =	vst.add.f32.msk $0xffff, v0  }
0x1de: {  	v5 =	vld [tilespmem:s10+$0x17940]  }
0x1df: {  	v6 =	vld [tilespmem:s10+$0x17950]  }
0x1e0: {  	v7 =	vld [tilespmem:s10+$0x17960]  }
0x1e1: {  	v8 =	vld [tilespmem:s10+$0x17970]  }
0x1e2: {  	v9 =	vld [tilespmem:s10+$0x17980]  }
0x1e3: {  	v10 =	vld [tilespmem:s10+$0x17990]  }
0x1e4: {  	v11 =	vld [tilespmem:s10+$0x179A0]  }
0x1e5: {  	v12 =	vld [tilespmem:s10+$0x179B0]  }
0x1e6: {  	v13 =	vld [tilespmem:s10+$0x179C0]  }
0x1e7: {  	v14 =	vld [tilespmem:s10+$0x179D0]  }
0x1e8: {  	v15 =	vld [tilespmem:s10+$0x179E0]  }
0x1e9: {  	v16 =	vld [tilespmem:s10+$0x179F0]  }
0x1ea: {  	v17 =	vld [tilespmem:s10+$0x17A00]  }
0x1eb: {  	v18 =	vld [tilespmem:s10+$0x17A10]  }
0x1ec: {  	v19 =	vld [tilespmem:s10+$0x17A20]  }
0x1ed: {  	v20 =	vld [tilespmem:s10+$0x17A30]  }
0x1ee: {  	v21 =	vld [tilespmem:s10+$0x17A40]  }
0x1ef: {  	v22 =	vld [tilespmem:s10+$0x17A50]  }
0x1f0: {  	v23 =	vld [tilespmem:s10+$0x17A60]  }
0x1f1: {  	v24 =	vld [tilespmem:s10+$0x17A70]  }
0x1f2: {  	v25 =	vld [tilespmem:s10+$0x17A80]  }
0x1f3: {  	v26 =	vld [tilespmem:s10+$0x17A90]  }
0x1f4: {  	v27 =	vld [tilespmem:s10+$0x17AA0]  }
0x1f5: {  	v28 =	vld [tilespmem:s10+$0x17AB0]  }
0x1f6: {  	v29 =	vld [tilespmem:s10+$0x17AC0]  }
0x1f7: {  	v30 =	vld [tilespmem:s10+$0x17AD0]  }
0x1f8: {  	v0 =	vld [tilespmem:s10+$0x17AE0]  }
0x1f9: {  	[tilespmem:s10+$0xB900] =	vst.add.f32.msk $0xffff, v1  }
0x1fa: {  	[tilespmem:s10+$0xB910] =	vst.add.f32.msk $0xffff, v2  }
0x1fb: {  	[tilespmem:s10+$0xB920] =	vst.add.f32.msk $0xffff, v3  }
0x1fc: {  	[tilespmem:s10+$0xB930] =	vst.add.f32.msk $0xffff, v4  }
0x1fd: {  	[tilespmem:s10+$0xB940] =	vst.add.f32.msk $0xffff, v5  }
0x1fe: {  	[tilespmem:s10+$0xB950] =	vst.add.f32.msk $0xffff, v6  }
0x1ff: {  	[tilespmem:s10+$0xB960] =	vst.add.f32.msk $0xffff, v7  }
0x200: {  	[tilespmem:s10+$0xB970] =	vst.add.f32.msk $0xffff, v8  }
0x201: {  	[tilespmem:s10+$0xB980] =	vst.add.f32.msk $0xffff, v9  }
0x202: {  	[tilespmem:s10+$0xB990] =	vst.add.f32.msk $0xffff, v10  }
0x203: {  	[tilespmem:s10+$0xB9A0] =	vst.add.f32.msk $0xffff, v11  }
0x204: {  	[tilespmem:s10+$0xB9B0] =	vst.add.f32.msk $0xffff, v12  }
0x205: {  	[tilespmem:s10+$0xB9C0] =	vst.add.f32.msk $0xffff, v13  }
0x206: {  	[tilespmem:s10+$0xB9D0] =	vst.add.f32.msk $0xffff, v14  }
0x207: {  	[tilespmem:s10+$0xB9E0] =	vst.add.f32.msk $0xffff, v15  }
0x208: {  	[tilespmem:s10+$0xB9F0] =	vst.add.f32.msk $0xffff, v16  }
0x209: {  	[tilespmem:s10+$0xBA00] =	vst.add.f32.msk $0xffff, v17  }
0x20a: {  	[tilespmem:s10+$0xBA10] =	vst.add.f32.msk $0xffff, v18  }
0x20b: {  	[tilespmem:s10+$0xBA20] =	vst.add.f32.msk $0xffff, v19  }
0x20c: {  	[tilespmem:s10+$0xBA30] =	vst.add.f32.msk $0xffff, v20  }
0x20d: {  	[tilespmem:s10+$0xBA40] =	vst.add.f32.msk $0xffff, v21  }
0x20e: {  	[tilespmem:s10+$0xBA50] =	vst.add.f32.msk $0xffff, v22  }
0x20f: {  	[tilespmem:s10+$0xBA60] =	vst.add.f32.msk $0xffff, v23  }
0x210: {  	[tilespmem:s10+$0xBA70] =	vst.add.f32.msk $0xffff, v24  }
0x211: {  	[tilespmem:s10+$0xBA80] =	vst.add.f32.msk $0xffff, v25  }
.Ltmp4:
0x212: {  	[tilespmem:s10+$0xBA90] =	vst.add.f32.msk $0xffff, v26;
	(pc) =	sbr.rel @p1 .LBB2_7-.Ltmp4, $4  }
0x213: {  	[tilespmem:s10+$0xBAA0] =	vst.add.f32.msk $0xffff, v27  }
0x214: {  	[tilespmem:s10+$0xBAB0] =	vst.add.f32.msk $0xffff, v28  }
0x215: {  	[tilespmem:s10+$0xBAC0] =	vst.add.f32.msk $0xffff, v29  }
0x216: {  	s13 =	sadd.s32 $0x800, s13;
	[tilespmem:s10+$0xBAD0] =	vst.add.f32.msk $0xffff, v30  }
0x217: {  	s11 =	sadd.s32 s6, s14  }
0x218: {  	p0 =	sgt.u32 s11, $0x18620  }
0x219: {  	p1 =	sgt.u32 @p0 s11, $0x1869F  }
0x21a: {  	p1 =	por p1, !p0  }
0x21b: {  	s13 =	sshll.u32 @!p1 s11, $0x4  }
0x21c: {  	[tilespmem:s10+$0xBAE0] =	vst.add.f32.msk $0xffff, v0;
	s14 =	simm.s32 @!p1 $0xB900;
	s10 =	sadd.s32 @!p1 s2, s13;
	s13 =	simm.s32 @!p1 $0x0  }
0x21d: {  	[hbm4b:s10+s13] =	stream.linear.scatter @!p1 [tilespmem:s14], [sflag:$0x9], $0x1000, $0x38;
	[tilespmem:$0x1B900] =	vst v63  }
0x21e: {  	s9 =	sadd.s32 $0x1, s9;
	s10 =	sshll.u32 @!p0 s11, $0x4  }
0x21f: {  	s11 =	simm.s32 @!p0 $0x0;
	s13 =	simm.s32 @!p0 $0xB900;
	s10 =	sadd.s32 @!p0 s2, s10  }
0x220: {  	[hbm4b:s10+s11] =	stream.linear.scatter @!p0 [tilespmem:s13], [sflag:$0x9], $0x4000, $0x38;
	[tilespmem:$0x1B900] =	vst v63  }
0x221: {  	p0 =	sne.s32 s9, $0x8  }
.Ltmp5:
0x222: {  	_ = 	snop;
	(pc) =	sbr.rel @p0 .LBB2_2-.Ltmp5, $1  }
0x223: {  	_ =	sdelay $0x3  }
0x224: {  	_ =	swait.ge [sflag:s25], $0x4000  }
0x225: {  	[sflag:s25] =	ssyncset.done $0x0  }
0x226: {  	[sflag:s25] =	ssyncadd.s32 $0xFFFFC000  }
0x227: {  	_ =	swait.ge [sflag:s26], $0x4000  }
0x228: {  	[sflag:s26] =	ssyncset.done $0x0  }
0x229: {  	s9 =	simm.s32 $0x0;
	[sflag:s26] =	ssyncadd.s32 $0xFFFFC000  }
0x22a: {  	v0 =	vld [tilespmem:s9+$0xFAF0]  }
0x22b: {  	v1 =	vld [tilespmem:s9+$0xF900]  }
0x22c: {  	v2 =	vld [tilespmem:s9+$0xF910]  }
0x22d: {  	v3 =	vld [tilespmem:s9+$0xF920]  }
0x22e: {  	v4 =	vld [tilespmem:s9+$0xF930]  }
0x22f: {  	v5 =	vld [tilespmem:s9+$0xF940]  }
0x230: {  	v6 =	vld [tilespmem:s9+$0xF950]  }
0x231: {  	v7 =	vld [tilespmem:s9+$0xF960]  }
0x232: {  	v8 =	vld [tilespmem:s9+$0xF970]  }
0x233: {  	v9 =	vld [tilespmem:s9+$0xF980]  }
0x234: {  	v10 =	vld [tilespmem:s9+$0xF990]  }
0x235: {  	v11 =	vld [tilespmem:s9+$0xF9A0]  }
0x236: {  	v12 =	vld [tilespmem:s9+$0xF9B0]  }
0x237: {  	v13 =	vld [tilespmem:s9+$0xF9C0]  }
0x238: {  	v14 =	vld [tilespmem:s9+$0xF9D0]  }
0x239: {  	v15 =	vld [tilespmem:s9+$0xF9E0]  }
0x23a: {  	v16 =	vld [tilespmem:s9+$0xF9F0]  }
0x23b: {  	v17 =	vld [tilespmem:s9+$0xFA00]  }
0x23c: {  	v18 =	vld [tilespmem:s9+$0xFA10]  }
0x23d: {  	v19 =	vld [tilespmem:s9+$0xFA20]  }
0x23e: {  	v20 =	vld [tilespmem:s9+$0xFA30]  }
0x23f: {  	v21 =	vld [tilespmem:s9+$0xFA40]  }
0x240: {  	v22 =	vld [tilespmem:s9+$0xFA50]  }
0x241: {  	v23 =	vld [tilespmem:s9+$0xFA60]  }
0x242: {  	v24 =	vld [tilespmem:s9+$0xFA70]  }
0x243: {  	v25 =	vld [tilespmem:s9+$0xFA80]  }
0x244: {  	v26 =	vld [tilespmem:s9+$0xFA90]  }
0x245: {  	v27 =	vld [tilespmem:s9+$0xFAA0]  }
0x246: {  	v28 =	vld [tilespmem:s9+$0xFAB0]  }
0x247: {  	v29 =	vld [tilespmem:s9+$0xFAC0]  }
0x248: {  	v30 =	vld [tilespmem:s9+$0xFAD0]  }
0x249: {  	[tilespmem:s9+$0x3AF0] =	vst.add.f32.msk $0xffff, v0  }
0x24a: {  	v0 =	vld [tilespmem:s9+$0xFAE0]  }
0x24b: {  	[tilespmem:s9+$0x3900] =	vst.add.f32.msk $0xffff, v1  }
0x24c: {  	[tilespmem:s9+$0x3910] =	vst.add.f32.msk $0xffff, v2  }
0x24d: {  	[tilespmem:s9+$0x3920] =	vst.add.f32.msk $0xffff, v3  }
0x24e: {  	[tilespmem:s9+$0x3930] =	vst.add.f32.msk $0xffff, v4  }
0x24f: {  	[tilespmem:s9+$0x3940] =	vst.add.f32.msk $0xffff, v5  }
0x250: {  	[tilespmem:s9+$0x3950] =	vst.add.f32.msk $0xffff, v6  }
0x251: {  	[tilespmem:s9+$0x3960] =	vst.add.f32.msk $0xffff, v7  }
0x252: {  	[tilespmem:s9+$0x3970] =	vst.add.f32.msk $0xffff, v8  }
0x253: {  	[tilespmem:s9+$0x3980] =	vst.add.f32.msk $0xffff, v9  }
0x254: {  	[tilespmem:s9+$0x3990] =	vst.add.f32.msk $0xffff, v10  }
0x255: {  	[tilespmem:s9+$0x39A0] =	vst.add.f32.msk $0xffff, v11  }
0x256: {  	[tilespmem:s9+$0x39B0] =	vst.add.f32.msk $0xffff, v12  }
0x257: {  	[tilespmem:s9+$0x39C0] =	vst.add.f32.msk $0xffff, v13  }
0x258: {  	[tilespmem:s9+$0x39D0] =	vst.add.f32.msk $0xffff, v14  }
0x259: {  	[tilespmem:s9+$0x39E0] =	vst.add.f32.msk $0xffff, v15  }
0x25a: {  	[tilespmem:s9+$0x39F0] =	vst.add.f32.msk $0xffff, v16  }
0x25b: {  	[tilespmem:s9+$0x3A00] =	vst.add.f32.msk $0xffff, v17  }
0x25c: {  	[tilespmem:s9+$0x3A10] =	vst.add.f32.msk $0xffff, v18  }
0x25d: {  	[tilespmem:s9+$0x3A20] =	vst.add.f32.msk $0xffff, v19  }
0x25e: {  	[tilespmem:s9+$0x3A30] =	vst.add.f32.msk $0xffff, v20  }
0x25f: {  	[tilespmem:s9+$0x3A40] =	vst.add.f32.msk $0xffff, v21  }
0x260: {  	[tilespmem:s9+$0x3A50] =	vst.add.f32.msk $0xffff, v22  }
0x261: {  	[tilespmem:s9+$0x3A60] =	vst.add.f32.msk $0xffff, v23  }
0x262: {  	[tilespmem:s9+$0x3A70] =	vst.add.f32.msk $0xffff, v24  }
0x263: {  	[tilespmem:s9+$0x3A80] =	vst.add.f32.msk $0xffff, v25  }
0x264: {  	[tilespmem:s9+$0x3A90] =	vst.add.f32.msk $0xffff, v26  }
0x265: {  	[tilespmem:s9+$0x3AA0] =	vst.add.f32.msk $0xffff, v27  }
0x266: {  	[tilespmem:s9+$0x3AB0] =	vst.add.f32.msk $0xffff, v28  }
0x267: {  	[tilespmem:s9+$0x3AC0] =	vst.add.f32.msk $0xffff, v29  }
0x268: {  	s10 =	simm.s32 $0x0;
	s11 =	simm.s32 $0x800;
	[tilespmem:s9+$0x3AD0] =	vst.add.f32.msk $0xffff, v30  }
.LBB2_10:
0x269: {  	s10 =	sadd.s32 $0x4, s10;
	[tilespmem:s9+$0x3AE0] =	vst.add.f32.msk $0xffff, v0;
	s9 =	sshra.s32 s11, $0x2  }
0x26a: {  	v0 =	vld [tilespmem:s9+$0xFAF0];
	p1 =	slt.u32 s10, $0x7C  }
0x26b: {  	v1 =	vld [tilespmem:s9+$0xF900]  }
0x26c: {  	v2 =	vld [tilespmem:s9+$0xF910]  }
0x26d: {  	v3 =	vld [tilespmem:s9+$0xF920]  }
0x26e: {  	v4 =	vld [tilespmem:s9+$0xF930]  }
0x26f: {  	[tilespmem:s9+$0x3AF0] =	vst.add.f32.msk $0xffff, v0  }
0x270: {  	v5 =	vld [tilespmem:s9+$0xF940]  }
0x271: {  	v6 =	vld [tilespmem:s9+$0xF950]  }
0x272: {  	v7 =	vld [tilespmem:s9+$0xF960]  }
0x273: {  	v8 =	vld [tilespmem:s9+$0xF970]  }
0x274: {  	v9 =	vld [tilespmem:s9+$0xF980]  }
0x275: {  	v10 =	vld [tilespmem:s9+$0xF990]  }
0x276: {  	v11 =	vld [tilespmem:s9+$0xF9A0]  }
0x277: {  	v12 =	vld [tilespmem:s9+$0xF9B0]  }
0x278: {  	v13 =	vld [tilespmem:s9+$0xF9C0]  }
0x279: {  	v14 =	vld [tilespmem:s9+$0xF9D0]  }
0x27a: {  	v15 =	vld [tilespmem:s9+$0xF9E0]  }
0x27b: {  	v16 =	vld [tilespmem:s9+$0xF9F0]  }
0x27c: {  	v17 =	vld [tilespmem:s9+$0xFA00]  }
0x27d: {  	v18 =	vld [tilespmem:s9+$0xFA10]  }
0x27e: {  	v19 =	vld [tilespmem:s9+$0xFA20]  }
0x27f: {  	v20 =	vld [tilespmem:s9+$0xFA30]  }
0x280: {  	v21 =	vld [tilespmem:s9+$0xFA40]  }
0x281: {  	v22 =	vld [tilespmem:s9+$0xFA50]  }
0x282: {  	v23 =	vld [tilespmem:s9+$0xFA60]  }
0x283: {  	v24 =	vld [tilespmem:s9+$0xFA70]  }
0x284: {  	v25 =	vld [tilespmem:s9+$0xFA80]  }
0x285: {  	v26 =	vld [tilespmem:s9+$0xFA90]  }
0x286: {  	v27 =	vld [tilespmem:s9+$0xFAA0]  }
0x287: {  	v28 =	vld [tilespmem:s9+$0xFAB0]  }
0x288: {  	v29 =	vld [tilespmem:s9+$0xFAC0]  }
0x289: {  	v30 =	vld [tilespmem:s9+$0xFAD0]  }
0x28a: {  	v0 =	vld [tilespmem:s9+$0xFAE0]  }
0x28b: {  	[tilespmem:s9+$0x3900] =	vst.add.f32.msk $0xffff, v1  }
0x28c: {  	[tilespmem:s9+$0x3910] =	vst.add.f32.msk $0xffff, v2  }
0x28d: {  	[tilespmem:s9+$0x3920] =	vst.add.f32.msk $0xffff, v3  }
0x28e: {  	[tilespmem:s9+$0x3930] =	vst.add.f32.msk $0xffff, v4  }
0x28f: {  	[tilespmem:s9+$0x3940] =	vst.add.f32.msk $0xffff, v5  }
0x290: {  	[tilespmem:s9+$0x3950] =	vst.add.f32.msk $0xffff, v6  }
0x291: {  	[tilespmem:s9+$0x3960] =	vst.add.f32.msk $0xffff, v7  }
0x292: {  	[tilespmem:s9+$0x3970] =	vst.add.f32.msk $0xffff, v8  }
0x293: {  	[tilespmem:s9+$0x3980] =	vst.add.f32.msk $0xffff, v9  }
0x294: {  	[tilespmem:s9+$0x3990] =	vst.add.f32.msk $0xffff, v10  }
0x295: {  	[tilespmem:s9+$0x39A0] =	vst.add.f32.msk $0xffff, v11  }
0x296: {  	[tilespmem:s9+$0x39B0] =	vst.add.f32.msk $0xffff, v12  }
0x297: {  	[tilespmem:s9+$0x39C0] =	vst.add.f32.msk $0xffff, v13  }
0x298: {  	[tilespmem:s9+$0x39D0] =	vst.add.f32.msk $0xffff, v14  }
0x299: {  	[tilespmem:s9+$0x39E0] =	vst.add.f32.msk $0xffff, v15  }
0x29a: {  	[tilespmem:s9+$0x39F0] =	vst.add.f32.msk $0xffff, v16  }
0x29b: {  	[tilespmem:s9+$0x3A00] =	vst.add.f32.msk $0xffff, v17  }
0x29c: {  	[tilespmem:s9+$0x3A10] =	vst.add.f32.msk $0xffff, v18  }
0x29d: {  	[tilespmem:s9+$0x3A20] =	vst.add.f32.msk $0xffff, v19  }
0x29e: {  	[tilespmem:s9+$0x3A30] =	vst.add.f32.msk $0xffff, v20  }
0x29f: {  	[tilespmem:s9+$0x3A40] =	vst.add.f32.msk $0xffff, v21  }
0x2a0: {  	[tilespmem:s9+$0x3A50] =	vst.add.f32.msk $0xffff, v22  }
0x2a1: {  	[tilespmem:s9+$0x3A60] =	vst.add.f32.msk $0xffff, v23  }
0x2a2: {  	[tilespmem:s9+$0x3A70] =	vst.add.f32.msk $0xffff, v24  }
0x2a3: {  	[tilespmem:s9+$0x3A80] =	vst.add.f32.msk $0xffff, v25  }
.Ltmp6:
0x2a4: {  	[tilespmem:s9+$0x3A90] =	vst.add.f32.msk $0xffff, v26;
	(pc) =	sbr.rel @p1 .LBB2_10-.Ltmp6, $4  }
0x2a5: {  	[tilespmem:s9+$0x3AA0] =	vst.add.f32.msk $0xffff, v27  }
0x2a6: {  	[tilespmem:s9+$0x3AB0] =	vst.add.f32.msk $0xffff, v28  }
0x2a7: {  	[tilespmem:s9+$0x3AC0] =	vst.add.f32.msk $0xffff, v29  }
0x2a8: {  	s11 =	sadd.s32 $0x800, s11;
	[tilespmem:s9+$0x3AD0] =	vst.add.f32.msk $0xffff, v30  }
0x2a9: {  	[tilespmem:s9+$0x3AE0] =	vst.add.f32.msk $0xffff, v0  }
0x2aa: {  	s9 =	sld [smem:$0x7F9];
	_ =	sdelay $0x2  }
0x2ab: {  	p0 =	seq.s32 s9, $0x1  }
.Ltmp7:
0x2ac: {  	_ = 	snop;
	(pc) =	sbr.rel @!p0 .LBB2_12-.Ltmp7, $1  }
0x2ad: {  	_ =	sdelay $0x3  }
0x2ae: {  	s9 =	sld [smem:$0x7F8];
	_ =	sdelay $0x2  }
0x2af: {  	p0 =	seq.s32 s9, $0x1  }
.Ltmp8:
0x2b0: {  	_ = 	snop;
	(pc) =	sbr.rel @p0 .LBB2_18-.Ltmp8, $1  }
0x2b1: {  	_ =	sdelay $0x3  }
.Ltmp9:
0x2b2: {  	(pc) =	sbr.rel .LBB2_15-.Ltmp9, $3  }
0x2b3: {  	_ =	sdelay $0x1  }
0x2b4: {  	s9 =	rddreg [dreg:$0xb]  }
0x2b5: {  	[hbm4b:s9+s5] =	stream.linear.scatter [tilespmem:s21], [sflag:$0x7], $0x1000, $0x38;
	[tilespmem:$0x1B900] =	vst v63  }
.LBB2_18:
0x2b6: {  	s9 =	sld [smem:$0x7FC];
	_ =	sdelay $0x2  }
0x2b7: {  	p0 =	seq.s32 s9, $0x1  }
0x2b8: {  	s9 =	simm.s32 @p0 $0x8  }
0x2b9: {  	_ =	swait.ge @p0 [sflag:s9], $0x4000  }
0x2ba: {  	s14 =	sld [smem:$0x7FA];
	_ =	sdelay $0x1  }
0x2bb: {  	[sflag:s9] =	ssyncset.done @p0 $0x0  }
0x2bc: {  	[sflag:s9] =	ssyncadd.s32 @p0 $0xFFFFC000;
	p0 =	seq.s32 s14, $0x1  }
0x2bd: {  	s9 =	simm.s32 @!p0 $0x9  }
0x2be: {  	_ =	swait.ge @!p0 [sflag:s9], $0x4000  }
0x2bf: {  	s16 =	sld [smem:$0x7FB];
	_ =	sdelay $0x1  }
0x2c0: {  	[sflag:s9] =	ssyncset.done @!p0 $0x0  }
0x2c1: {  	[sflag:s9] =	ssyncadd.s32 @!p0 $0xFFFFC000;
	p0 =	seq.s32 s16, $0x1  }
0x2c2: {  	s9 =	simm.s32 @!p0 $0x9  }
0x2c3: {  	_ =	swait.ge @!p0 [sflag:s9], $0x1000  }
0x2c4: {  	s17 =	sld [smem:$0x7FD];
	_ =	sdelay $0x1  }
0x2c5: {  	[sflag:s9] =	ssyncset.done @!p0 $0x0  }
.Ltmp10:
0x2c6: {  	[sflag:s9] =	ssyncadd.s32 @!p0 $0xFFFFF000;
	p0 =	seq.s32 s17, $0x1;
	(pc) =	sbr.rel .LBB2_16-.Ltmp10, $4  }
0x2c7: {  	s9 =	simm.s32 @!p0 $0x8  }
0x2c8: {  	_ =	swait.ge @!p0 [sflag:s9], $0x1000  }
0x2c9: {  	[sflag:s9] =	ssyncset.done @!p0 $0x0  }
0x2ca: {  	[sflag:s9] =	ssyncadd.s32 @!p0 $0xFFFFF000  }
.LBB2_17:
0x2cb: {  	_ =	sfence.sel $0x180000  }
0x2cc: {  	[bflag:$0x0] =	sbarrier.arrive $0xFFFF  }
0x2cd: {  	_ =	strace $0x90000047  }
0x2ce: {  	s0 =	stileid.u32;
	[bflag:$0x2] =	sbarrier.arrive $0xFFFF  }
0x2cf: {  	p0 =	sne.s32 s0, $0x0;
	s0 =	rddreg [dreg:$0x6]  }
0x2d0: {  	s0 =	sadd.s32 @!p0 $0x100000, s0  }
0x2d1: {  	[sflag:s0] =	ssyncadd.tile.s32 @!p0 $0x1;
	_ =	shalt  }
.Lfunc_end2:
_tile_overlayer_lowered:
.L_overlay_start_2:
0x2d2: {  	(tag) =	ssettag $0x2  }
0x2d3: {  	s0 =	rddreg [dreg:$0x0];
	s2 =	stileid.u32  }
0x2d4: {  	s1 =	rddreg [dreg:$0x1];
	p0 =	sne.s32 s2, $0x0  }
0x2d5: {  	s3 =	rddreg [dreg:$0x2];
	[bflag:$0x3] =	sbarrier.arrive $0xFFFF;
	s2 =	simm.s32 @!p0 $0x1C0B  }
0x2d6: {  	[timem:s3], [sflag:s2] =	dma.local @!p0 [hbm:s0], s1  }
0x2d7: {  	s0 =	simm.s32 @!p0 $0xB  }
0x2d8: {  	_ =	swait.ge @!p0 [sflag:s0], s1  }
0x2d9: {  	s1 =	ssub.s32 @!p0 $0x0, s1;
	[sflag:s0] =	ssyncset.done @!p0 $0x0  }
0x2da: {  	[sflag:s0] =	ssyncadd.s32 @!p0 s1  }
0x2db: {  	[bflag:$0x3] =	sbarrier.arrive $0xFFFF  }
0x2dc: {  	_ =	shalt  }

</sc_bundles>
